<compile_context>
chip_gen: v7x
topology: tpu7x:2x2x1
jax: 0.10.2.dev20260603
libtpu: 0.0.44.dev20260713+nightly
codegen_flags: <defaults>
</compile_context>

<pallas_src>
import functools

import jax
import jax.numpy as jnp
from jax import lax
from jax.experimental import pallas as pl
from jax.experimental.pallas import tpu as pltpu
from jax.experimental.pallas import tpu_sc as plsc

NB = 15
NC = 32
L = 16
NCORE = 2
NSUB = 16
NW = NCORE * NSUB
N_ROWS = 1000000
CHUNK = 128
NFULL = N_ROWS // CHUNK
TAIL0 = NFULL * CHUNK
TAILN = N_ROWS - TAIL0
MAXC = 246
NVEC = NC * (CHUNK // L)
TBL = NB * NC
TBL16 = TBL * L
EPAD = 32
PACK = 65536


def _sc_body(probasT_hbm, labels_hbm, elo_hbm, ehi_hbm,
             outpk_hbm, outsp_hbm,
             pb0, pb1, lb0, lb1, elo, ehi, pk, sump, sem0, sem1):
    w = lax.axis_index("s") * NCORE + lax.axis_index("c")
    base = 244 * w + jnp.minimum(w, 4)
    n_my = jnp.where(w < 4, 245, 244)

    pltpu.sync_copy(elo_hbm, elo)
    pltpu.sync_copy(ehi_hbm, ehi)

    zf = jnp.zeros((L,), jnp.float32)
    zi = jnp.zeros((L,), jnp.int32)

    def zero(j, carry):
        pk[pl.ds(j * L, L)] = zi
        sump[pl.ds(j * L, L)] = zf
        return carry

    lax.fori_loop(0, TBL16 // L, zero, 0)

    pbufs = (pb0, pb1)
    lbufs = (lb0, lb1)
    sems = (sem0, sem1)

    def start(slot, b):
        n0 = (base + slot) * CHUNK
        pltpu.async_copy(
            probasT_hbm.at[:, pl.ds(n0, CHUNK)], pbufs[b], sems[b])
        pltpu.async_copy(
            labels_hbm.at[pl.ds(n0, CHUNK)], lbufs[b], sems[b])

    def drain(b):
        pltpu.make_async_copy(
            probasT_hbm.at[:, pl.ds(0, CHUNK)], pbufs[b], sems[b]).wait()
        pltpu.make_async_copy(
            labels_hbm.at[pl.ds(0, CHUNK)], lbufs[b], sems[b]).wait()

    iota = lax.iota(jnp.int32, L)

    def compute(pb, lb):
        @plsc.parallel_loop(0, NVEC // 2, unroll=4)
        def _(v):
            c0 = v & (NC // 2 - 1)
            s = (v >> 4) * L
            lblv = lb[pl.ds(s, L)]
            for sub in range(2):
                c = c0 + sub * (NC // 2)
                csplat = jnp.full((L,), c, jnp.int32)
                cl = jnp.full((L,), c << 4, jnp.int32) | iota
                p = pb[c, pl.ds(s, L)]
                j0 = (p * float(NB)).astype(jnp.int32)
                lo = plsc.load_gather(elo, [j0])
                hi = plsc.load_gather(ehi, [j0])
                valid = jnp.logical_not((p == lo) | (p == hi))
                offs = jnp.where(p > hi, jnp.int32(NC * L),
                                 jnp.where(p < lo, jnp.int32(-NC * L),
                                           jnp.int32(0)))
                idx = j0 * (NC * L) + cl + offs
                packv = jnp.where(lblv == csplat, jnp.int32(PACK + 1),
                                  jnp.int32(PACK))
                plsc.addupdate_scatter(pk, [idx], packv, mask=valid)
                plsc.addupdate_scatter(sump, [idx], p, mask=valid)

    start(0, 0)
    start(1, 1)

    def ring(i, carry):
        for b in range(2):
            chunk = 2 * i + b

            @pl.when(chunk < n_my)
            def _():
                drain(b)
                compute(pbufs[b], lbufs[b])

                @pl.when(chunk + 2 < n_my)
                def _():
                    start(chunk + 2, b)
        return carry

    lax.fori_loop(0, MAXC // 2, ring, 0)

    pltpu.sync_copy(pk, outpk_hbm.at[pl.ds(w * TBL16, TBL16)])
    pltpu.sync_copy(sump, outsp_hbm.at[pl.ds(w * TBL16, TBL16)])


_sc_hist = functools.partial(
    pl.kernel,
    out_type=(jax.ShapeDtypeStruct((NW * TBL16,), jnp.int32),
              jax.ShapeDtypeStruct((NW * TBL16,), jnp.float32)),
    mesh=plsc.VectorSubcoreMesh(core_axis_name="c", subcore_axis_name="s",
                                num_cores=NCORE, num_subcores=NSUB),
    compiler_params=pltpu.CompilerParams(needs_layout_passes=False,
                                         use_tc_tiling_on_sc=True),
    scratch_types=[
        pltpu.VMEM((NC, CHUNK), jnp.float32),
        pltpu.VMEM((NC, CHUNK), jnp.float32),
        pltpu.VMEM((CHUNK,), jnp.int32),
        pltpu.VMEM((CHUNK,), jnp.int32),
        pltpu.VMEM((EPAD,), jnp.float32),
        pltpu.VMEM((EPAD,), jnp.float32),
        pltpu.VMEM((TBL16,), jnp.int32),
        pltpu.VMEM((TBL16,), jnp.float32),
        pltpu.SemaphoreType.DMA,
        pltpu.SemaphoreType.DMA,
    ],
)(_sc_body)


def _tc_final_body(pk_ref, sp_ref, tp_ref, tl_ref, ed_ref, out_ref):
    x4 = pk_ref[...]
    x = jnp.sum(x4, axis=3)
    cnt = jnp.sum((x >> 16).astype(jnp.float32), axis=0)
    ac = jnp.sum((x & 0xFFFF).astype(jnp.float32), axis=0)
    sp = jnp.sum(jnp.sum(sp_ref[...], axis=3), axis=0)

    tp = tp_ref[...]
    tl = tl_ref[...]
    oh = tl == lax.broadcasted_iota(jnp.int32, (NC, TAILN), 0)
    zero = jnp.zeros((), jnp.float32)
    crows, srows, arows = [], [], []
    for b in range(NB):
        lo = ed_ref[b]
        hi = ed_ref[b + 1]
        m = (lo < tp) & (tp < hi)
        crows.append(jnp.sum(jnp.where(m, 1.0, zero), axis=1))
        srows.append(jnp.sum(jnp.where(m, tp, zero), axis=1))
        arows.append(jnp.sum(jnp.where(m & oh, 1.0, zero), axis=1))
    cnt = cnt + jnp.stack(crows)
    sp = sp + jnp.stack(srows)
    ac = ac + jnp.stack(arows)

    tot = jnp.sum(cnt, axis=0, keepdims=True)
    dc = sp - ac
    pos = cnt > 0
    den = jnp.where(pos, cnt * tot, 1.0)
    term = jnp.where(pos, (dc * dc) / den, 0.0)
    out_ref[0, 0] = jnp.sqrt(jnp.sum(term) / float(NC))


_tc_final = pl.pallas_call(
    _tc_final_body,
    out_shape=jax.ShapeDtypeStruct((1, 1), jnp.float32),
    in_specs=[
        pl.BlockSpec(memory_space=pltpu.VMEM),
        pl.BlockSpec(memory_space=pltpu.VMEM),
        pl.BlockSpec(memory_space=pltpu.VMEM),
        pl.BlockSpec(memory_space=pltpu.VMEM),
        pl.BlockSpec(memory_space=pltpu.SMEM),
    ],
    out_specs=pl.BlockSpec(memory_space=pltpu.SMEM),
)


def kernel(probas, labels):
    edges = jnp.linspace(0.0, 1.0, NB + 1, dtype=jnp.float32)
    pad = jnp.full((EPAD - (NB + 2),), 2.0, jnp.float32)
    elo = jnp.concatenate([edges, jnp.float32(2.0)[None], pad])
    ehi = jnp.concatenate([edges[1:], jnp.full((2,), 2.0, jnp.float32), pad])
    probasT = probas.T
    pk, sp = _sc_hist(probasT, labels, elo, ehi)
    tailp = probasT[:, TAIL0:]
    taillab = labels[TAIL0:].reshape(1, TAILN)
    mce = _tc_final(pk.reshape(NW, NB, NC, L), sp.reshape(NW, NB, NC, L),
                    tailp, taillab, edges)
    return mce[0, 0]

# --- scband reference (transcript-rebuilt; emitter-appended) ---
"""Pipeline reference for scband-marginal-calibration-error-1529008357638 (READ-ONLY COPY).

The authoritative reference and input builder live on the scoring server;
editing this copy changes nothing except your own understanding.
"""

import jax, jax.numpy as jnp
import numpy as np

N_BINS = 15
P = 2
N = 1000000
C = 32


def setup_inputs(seed: int = 0) -> dict:
    key = jax.random.key(seed)
    k1, k2 = jax.random.split(key)
    probas = jax.random.uniform(k1, (N, C), dtype=jnp.float32)
    labels = jax.random.randint(k2, (N,), 0, C, dtype=jnp.int32)
    return {"probas": probas, "labels": labels}


def reference(probas, labels):
    n_bins = N_BINS
    p = P
    bins = jnp.linspace(0.0, 1.0, n_bins + 1)
    lo = bins[:-1][:, None]  # [n_bins, 1]
    hi = bins[1:][:, None]   # [n_bins, 1]
    n_classes = probas.shape[1]
    sq_ces = []
    for i_cls in range(n_classes):
        proba = probas[:, i_cls]                       # [N]
        label = (labels == i_cls).astype(probas.dtype)  # [N]
        pr = proba[None, :]                             # [1, N]
        in_bin = (lo < pr) & (pr < hi)                  # [n_bins, N], strict ineq like torch
        inb = in_bin.astype(probas.dtype)
        n_samples = inb.sum(axis=1)                     # [n_bins]
        sum_conf = (inb * pr).sum(axis=1)
        sum_acc = (inb * label[None, :]).sum(axis=1)
        denom = jnp.where(n_samples > 0, n_samples, 1.0)
        confs = jnp.where(n_samples > 0, sum_conf / denom, jnp.nan)
        accs = jnp.where(n_samples > 0, sum_acc / denom, jnp.nan)
        probas_bin = n_samples / jnp.nansum(n_samples)
        # ce = nansum(...)**(1/p); sq_ce = ce**p == nansum(...)
        sq_ce = jnp.nansum(probas_bin * jnp.abs(confs - accs) ** p)
        sq_ces.append(sq_ce)
    mce = jnp.stack(sq_ces).mean() ** (1.0 / p)
    return mce


if False:  # reference __main__ guard neutralized (emitter)
    inp = setup_inputs()
    out = reference(**inp)
    print(out)

if __name__ == "__main__":
    import jax
    _d = setup_inputs()
    print(jax.jit(kernel)(*tuple(_d.values())))

</pallas_src>

<mosaic_0001>
#map = affine_map<(d0, d1) -> (0, 0)>
#map1 = affine_map<(d0, d1) -> (0)>
module attributes {stable_mosaic.version = 14 : i64} {
  func.func @_sc_body(%arg0: i32, %arg1: i32, %arg2: memref<32x1000000xf32, #tpu.memory_space<hbm>>, %arg3: memref<1000000xi32, #tpu.memory_space<hbm>>, %arg4: memref<32xf32, #tpu.memory_space<hbm>>, %arg5: memref<32xf32, #tpu.memory_space<hbm>>, %arg6: memref<245760xi32, #tpu.memory_space<hbm>>, %arg7: memref<245760xf32, #tpu.memory_space<hbm>>, %arg8: memref<32x128xf32, #tpu.memory_space<vmem>>, %arg9: memref<32x128xf32, #tpu.memory_space<vmem>>, %arg10: memref<128xi32, #tpu.memory_space<vmem>>, %arg11: memref<128xi32, #tpu.memory_space<vmem>>, %arg12: memref<32xf32, #tpu.memory_space<vmem>>, %arg13: memref<32xf32, #tpu.memory_space<vmem>>, %arg14: memref<7680xi32, #tpu.memory_space<vmem>>, %arg15: memref<7680xf32, #tpu.memory_space<vmem>>, %arg16: memref<!tpu.dma_semaphore, #tpu.memory_space<semaphore_mem>>, %arg17: memref<!tpu.dma_semaphore, #tpu.memory_space<semaphore_mem>>) attributes {dimension_semantics = [#tpu.dimension_semantics<core_parallel>, #tpu.dimension_semantics<subcore_parallel>], iteration_bounds = array<i64: 2, 16>, scalar_prefetch = 0 : i64, scratch_operands = 10 : i64, tpu.core_type = #tpu.core_type<sc_vector_subcore>, window_params = [{transform_indices = #map}, {transform_indices = #map1}, {transform_indices = #map1}, {transform_indices = #map1}, {transform_indices = #map1}, {transform_indices = #map1}]} {
    %mul3A = arith.constant 2 : i32
    %mul3A_0 = arith.muli %arg1, %mul3A : i32
    %add3A = arith.addi %mul3A_0, %arg0 : i32
    %mul3A_1 = arith.constant 244 : i32
    %mul3A_2 = arith.muli %mul3A_1, %add3A : i32
    %min3A = arith.constant 4 : i32
    %min3A_3 = arith.minsi %add3A, %min3A : i32
    %add3A_4 = arith.addi %mul3A_2, %min3A_3 : i32
    %lt3A = arith.constant 4 : i32
    %lt3A_5 = arith.cmpi slt, %add3A, %lt3A : i32
    %jit3A = arith.constant 245 : i32
    %jit3A_6 = arith.constant 244 : i32
    %select_n3A = arith.select %lt3A_5, %jit3A, %jit3A_6 : i32
    "tpu.region"() ({
      %run_scoped3A = tpu.sem_alloc : memref<!tpu.dma_semaphore, #tpu.memory_space<semaphore_mem>>
      tpu.enqueue_dma source(%arg4 : memref<32xf32, #tpu.memory_space<hbm>>) target(%arg12 : memref<32xf32, #tpu.memory_space<vmem>>) target_semaphore(%run_scoped3A : memref<!tpu.dma_semaphore, #tpu.memory_space<semaphore_mem>>)
      tpu.wait_dma2 semaphore(%run_scoped3A : memref<!tpu.dma_semaphore, #tpu.memory_space<semaphore_mem>>) src(%arg4 : memref<32xf32, #tpu.memory_space<hbm>>) dst(%arg12 : memref<32xf32, #tpu.memory_space<vmem>>)
      tpu.yield
    }) : () -> ()
    "tpu.region"() ({
      %run_scoped3A = tpu.sem_alloc : memref<!tpu.dma_semaphore, #tpu.memory_space<semaphore_mem>>
      tpu.enqueue_dma source(%arg5 : memref<32xf32, #tpu.memory_space<hbm>>) target(%arg13 : memref<32xf32, #tpu.memory_space<vmem>>) target_semaphore(%run_scoped3A : memref<!tpu.dma_semaphore, #tpu.memory_space<semaphore_mem>>)
      tpu.wait_dma2 semaphore(%run_scoped3A : memref<!tpu.dma_semaphore, #tpu.memory_space<semaphore_mem>>) src(%arg5 : memref<32xf32, #tpu.memory_space<hbm>>) dst(%arg13 : memref<32xf32, #tpu.memory_space<vmem>>)
      tpu.yield
    }) : () -> ()
    %broadcast_in_dim3A = arith.constant 0.000000e+00 : f32
    %broadcast_in_dim3A_7 = vector.broadcast %broadcast_in_dim3A : f32 to vector<16xf32>
    %broadcast_in_dim3A_8 = arith.constant 0 : i32
    %broadcast_in_dim3A_9 = vector.broadcast %broadcast_in_dim3A_8 : i32 to vector<16xi32>
    %scan3A = arith.constant 0 : i32
    %scan3A_10 = arith.constant 0 : i32
    %scan3A_11 = arith.constant 480 : i32
    %scan3A_12 = arith.addi %scan3A_10, %scan3A_11 : i32
    %scan3A_13 = arith.constant 1 : i32
    scf.for %scan3A_44 = %scan3A_10 to %scan3A_12 step %scan3A_13  : i32 {
      %mul3A_45 = arith.constant 16 : i32
      %mul3A_46 = arith.muli %scan3A_44, %mul3A_45 : i32
      %swap3A = arith.index_cast %mul3A_46 : i32 to index
      %swap3A_47 = tpu.vector_load %arg14[%swap3A] {strides = array<i32>} : memref<7680xi32, #tpu.memory_space<vmem>>, vector<16xi32>,
      tpu.vector_store %arg14[%swap3A], %broadcast_in_dim3A_9 {strides = array<i32>} : memref<7680xi32, #tpu.memory_space<vmem>>, vector<16xi32>,
      %mul3A_48 = arith.constant 16 : i32
      %mul3A_49 = arith.muli %scan3A_44, %mul3A_48 : i32
      %swap3A_50 = arith.index_cast %mul3A_49 : i32 to index
      %swap3A_51 = tpu.vector_load %arg15[%swap3A_50] {strides = array<i32>} : memref<7680xf32, #tpu.memory_space<vmem>>, vector<16xf32>,
      tpu.vector_store %arg15[%swap3A_50], %broadcast_in_dim3A_7 {strides = array<i32>} : memref<7680xf32, #tpu.memory_space<vmem>>, vector<16xf32>,
    }
    %scan3A_14 = arith.constant 480 : i32
    %iota3A = tpu.iota {dimensions = array<i32: 0>} : vector<16xi32>
    %add3A_15 = arith.constant 0 : i32
    %add3A_16 = arith.addi %add3A_4, %add3A_15 : i32
    %mul3A_17 = arith.constant 128 : i32
    %mul3A_18 = arith.muli %add3A_16, %mul3A_17 : i32
    %dma_start3A = arith.constant 0 : i32
    %dma_start3A_19 = tpu.memref_slice %arg2[%dma_start3A, %mul3A_18] : memref<32x1000000xf32, #tpu.memory_space<hbm>> -> memref<32x128xf32, #tpu.memory_space<hbm>>
    %dma_start3A_20 = arith.constant 0 : i32
    %dma_start3A_21 = tpu.memref_slice %arg2[%dma_start3A_20, %mul3A_18] : memref<32x1000000xf32, #tpu.memory_space<hbm>> -> memref<32x128xf32, #tpu.memory_space<hbm>>
    tpu.enqueue_dma source(%dma_start3A_21 : memref<32x128xf32, #tpu.memory_space<hbm>>) target(%arg8 : memref<32x128xf32, #tpu.memory_space<vmem>>) target_semaphore(%arg16 : memref<!tpu.dma_semaphore, #tpu.memory_space<semaphore_mem>>)
    %dma_start3A_22 = tpu.memref_slice %arg3[%mul3A_18] : memref<1000000xi32, #tpu.memory_space<hbm>> -> memref<128xi32, #tpu.memory_space<hbm>>
    %dma_start3A_23 = tpu.memref_slice %arg3[%mul3A_18] : memref<1000000xi32, #tpu.memory_space<hbm>> -> memref<128xi32, #tpu.memory_space<hbm>>
    tpu.enqueue_dma source(%dma_start3A_23 : memref<128xi32, #tpu.memory_space<hbm>>) target(%arg10 : memref<128xi32, #tpu.memory_space<vmem>>) target_semaphore(%arg16 : memref<!tpu.dma_semaphore, #tpu.memory_space<semaphore_mem>>)
    %add3A_24 = arith.constant 1 : i32
    %add3A_25 = arith.addi %add3A_4, %add3A_24 : i32
    %mul3A_26 = arith.constant 128 : i32
    %mul3A_27 = arith.muli %add3A_25, %mul3A_26 : i32
    %dma_start3A_28 = arith.constant 0 : i32
    %dma_start3A_29 = tpu.memref_slice %arg2[%dma_start3A_28, %mul3A_27] : memref<32x1000000xf32, #tpu.memory_space<hbm>> -> memref<32x128xf32, #tpu.memory_space<hbm>>
    %dma_start3A_30 = arith.constant 0 : i32
    %dma_start3A_31 = tpu.memref_slice %arg2[%dma_start3A_30, %mul3A_27] : memref<32x1000000xf32, #tpu.memory_space<hbm>> -> memref<32x128xf32, #tpu.memory_space<hbm>>
    tpu.enqueue_dma source(%dma_start3A_31 : memref<32x128xf32, #tpu.memory_space<hbm>>) target(%arg9 : memref<32x128xf32, #tpu.memory_space<vmem>>) target_semaphore(%arg17 : memref<!tpu.dma_semaphore, #tpu.memory_space<semaphore_mem>>)
    %dma_start3A_32 = tpu.memref_slice %arg3[%mul3A_27] : memref<1000000xi32, #tpu.memory_space<hbm>> -> memref<128xi32, #tpu.memory_space<hbm>>
    %dma_start3A_33 = tpu.memref_slice %arg3[%mul3A_27] : memref<1000000xi32, #tpu.memory_space<hbm>> -> memref<128xi32, #tpu.memory_space<hbm>>
    tpu.enqueue_dma source(%dma_start3A_33 : memref<128xi32, #tpu.memory_space<hbm>>) target(%arg11 : memref<128xi32, #tpu.memory_space<vmem>>) target_semaphore(%arg17 : memref<!tpu.dma_semaphore, #tpu.memory_space<semaphore_mem>>)
    %scan3A_34 = arith.constant 0 : i32
    %scan3A_35 = arith.constant 0 : i32
    %scan3A_36 = arith.constant 123 : i32
    %scan3A_37 = arith.addi %scan3A_35, %scan3A_36 : i32
    %scan3A_38 = arith.constant 1 : i32
    scf.for %scan3A_44 = %scan3A_35 to %scan3A_37 step %scan3A_38  : i32 {
      %mul3A_45 = arith.constant 2 : i32
      %mul3A_46 = arith.muli %mul3A_45, %scan3A_44 : i32
      %add3A_47 = arith.constant 0 : i32
      %add3A_48 = arith.addi %mul3A_46, %add3A_47 : i32
      %lt3A_49 = arith.cmpi slt, %add3A_48, %select_n3A : i32
      %convert_element_type3A = arith.extui %lt3A_49 : i1 to i32
      %cond3A = arith.constant 0 : i32
      %cond3A_50 = arith.cmpi ne, %convert_element_type3A, %cond3A : i32
      scf.if %cond3A_50 {
        %dma_wait3A = arith.constant 0 : i32
        %dma_wait3A_59 = arith.constant 0 : i32
        %dma_wait3A_60 = tpu.memref_slice %arg2[%dma_wait3A, %dma_wait3A_59] : memref<32x1000000xf32, #tpu.memory_space<hbm>> -> memref<32x128xf32, #tpu.memory_space<hbm>>
        %dma_wait3A_61 = arith.constant 0 : i32
        %dma_wait3A_62 = arith.constant 0 : i32
        %dma_wait3A_63 = tpu.memref_slice %arg2[%dma_wait3A_61, %dma_wait3A_62] : memref<32x1000000xf32, #tpu.memory_space<hbm>> -> memref<32x128xf32, #tpu.memory_space<hbm>>
        tpu.wait_dma2 semaphore(%arg16 : memref<!tpu.dma_semaphore, #tpu.memory_space<semaphore_mem>>) src(%dma_wait3A_63 : memref<32x128xf32, #tpu.memory_space<hbm>>) dst(%arg8 : memref<32x128xf32, #tpu.memory_space<vmem>>)
        %dma_wait3A_64 = arith.constant 0 : i32
        %dma_wait3A_65 = tpu.memref_slice %arg3[%dma_wait3A_64] : memref<1000000xi32, #tpu.memory_space<hbm>> -> memref<128xi32, #tpu.memory_space<hbm>>
        %dma_wait3A_66 = arith.constant 0 : i32
        %dma_wait3A_67 = tpu.memref_slice %arg3[%dma_wait3A_66] : memref<1000000xi32, #tpu.memory_space<hbm>> -> memref<128xi32, #tpu.memory_space<hbm>>
        tpu.wait_dma2 semaphore(%arg16 : memref<!tpu.dma_semaphore, #tpu.memory_space<semaphore_mem>>) src(%dma_wait3A_67 : memref<128xi32, #tpu.memory_space<hbm>>) dst(%arg10 : memref<128xi32, #tpu.memory_space<vmem>>)
        %parallel_loop3A = arith.constant 0 : i32
        %parallel_loop3A_68 = arith.constant 128 : i32
        %parallel_loop3A_69 = arith.constant 1 : i32
        scf.for %parallel_loop3A_76 = %parallel_loop3A to %parallel_loop3A_68 step %parallel_loop3A_69  : i32 {
          %parallel_loop3A_77 = arith.constant 15 : i32
          %parallel_loop3A_78 = arith.andi %parallel_loop3A_76, %parallel_loop3A_77 : i32
          %parallel_loop3A_79 = arith.constant 4 : i32
          %parallel_loop3A_80 = arith.shrsi %parallel_loop3A_76, %parallel_loop3A_79 : i32
          %parallel_loop3A_81 = arith.constant 16 : i32
          %parallel_loop3A_82 = arith.muli %parallel_loop3A_80, %parallel_loop3A_81 : i32
          %parallel_loop3A_83 = arith.index_cast %parallel_loop3A_82 : i32 to index
          %parallel_loop3A_84 = tpu.vector_load %arg10[%parallel_loop3A_83] {strides = array<i32>} : memref<128xi32, #tpu.memory_space<vmem>>, vector<16xi32>,
          %parallel_loop3A_85 = arith.constant 0 : i32
          %parallel_loop3A_86 = arith.addi %parallel_loop3A_78, %parallel_loop3A_85 : i32
          %parallel_loop3A_87 = vector.broadcast %parallel_loop3A_86 : i32 to vector<16xi32>
          %parallel_loop3A_88 = arith.constant 4 : i32
          %parallel_loop3A_89 = arith.shli %parallel_loop3A_86, %parallel_loop3A_88 : i32
          %parallel_loop3A_90 = vector.broadcast %parallel_loop3A_89 : i32 to vector<16xi32>
          %parallel_loop3A_91 = arith.ori %parallel_loop3A_90, %iota3A : vector<16xi32>
          %parallel_loop3A_92 = arith.index_cast %parallel_loop3A_86 : i32 to index
          %parallel_loop3A_93 = arith.index_cast %parallel_loop3A_82 : i32 to index
          %parallel_loop3A_94 = tpu.vector_load %arg8[%parallel_loop3A_92, %parallel_loop3A_93] {strides = array<i32>} : memref<32x128xf32, #tpu.memory_space<vmem>>, vector<16xf32>,
          %parallel_loop3A_95 = arith.constant 1.500000e+01 : f32
          %parallel_loop3A_96 = vector.broadcast %parallel_loop3A_95 : f32 to vector<16xf32>
          %parallel_loop3A_97 = arith.mulf %parallel_loop3A_94, %parallel_loop3A_96 : vector<16xf32>
          %parallel_loop3A_98 = arith.fptosi %parallel_loop3A_97 : vector<16xf32> to vector<16xi32>
          %parallel_loop3A_99 = tpu.vector_load_idx %arg12[%parallel_loop3A_98] : memref<32xf32, #tpu.memory_space<vmem>>[vector<16xi32>], vector<16xf32>,
          %parallel_loop3A_100 = tpu.vector_load_idx %arg13[%parallel_loop3A_98] : memref<32xf32, #tpu.memory_space<vmem>>[vector<16xi32>], vector<16xf32>,
          %parallel_loop3A_101 = arith.cmpf oeq, %parallel_loop3A_94, %parallel_loop3A_99 : vector<16xf32>
          %parallel_loop3A_102 = arith.cmpf oeq, %parallel_loop3A_94, %parallel_loop3A_100 : vector<16xf32>
          %parallel_loop3A_103 = arith.ori %parallel_loop3A_101, %parallel_loop3A_102 : vector<16xi1>
          %parallel_loop3A_104 = arith.constant dense<true> : vector<16xi1>
          %parallel_loop3A_105 = arith.xori %parallel_loop3A_103, %parallel_loop3A_104 : vector<16xi1>
          %parallel_loop3A_106 = arith.cmpf ogt, %parallel_loop3A_94, %parallel_loop3A_100 : vector<16xf32>
          %parallel_loop3A_107 = arith.cmpf olt, %parallel_loop3A_94, %parallel_loop3A_99 : vector<16xf32>
          %parallel_loop3A_108 = arith.constant -512 : i32
          %parallel_loop3A_109 = arith.constant 0 : i32
          %parallel_loop3A_110 = vector.broadcast %parallel_loop3A_108 : i32 to vector<16xi32>
          %parallel_loop3A_111 = vector.broadcast %parallel_loop3A_109 : i32 to vector<16xi32>
          %parallel_loop3A_112 = arith.select %parallel_loop3A_107, %parallel_loop3A_110, %parallel_loop3A_111 : vector<16xi1>, vector<16xi32>
          %parallel_loop3A_113 = arith.constant 512 : i32
          %parallel_loop3A_114 = vector.broadcast %parallel_loop3A_113 : i32 to vector<16xi32>
          %parallel_loop3A_115 = arith.select %parallel_loop3A_106, %parallel_loop3A_114, %parallel_loop3A_112 : vector<16xi1>, vector<16xi32>
          %parallel_loop3A_116 = arith.constant 512 : i32
          %parallel_loop3A_117 = vector.broadcast %parallel_loop3A_116 : i32 to vector<16xi32>
          %parallel_loop3A_118 = arith.muli %parallel_loop3A_98, %parallel_loop3A_117 : vector<16xi32>
          %parallel_loop3A_119 = arith.addi %parallel_loop3A_118, %parallel_loop3A_91 : vector<16xi32>
          %parallel_loop3A_120 = arith.addi %parallel_loop3A_119, %parallel_loop3A_115 : vector<16xi32>
          %parallel_loop3A_121 = arith.cmpi eq, %parallel_loop3A_84, %parallel_loop3A_87 : vector<16xi32>
          %parallel_loop3A_122 = arith.constant 65537 : i32
          %parallel_loop3A_123 = arith.constant 65536 : i32
          %parallel_loop3A_124 = vector.broadcast %parallel_loop3A_122 : i32 to vector<16xi32>
          %parallel_loop3A_125 = vector.broadcast %parallel_loop3A_123 : i32 to vector<16xi32>
          %parallel_loop3A_126 = arith.select %parallel_loop3A_121, %parallel_loop3A_124, %parallel_loop3A_125 : vector<16xi1>, vector<16xi32>
          tpu.vector_store_idx %arg14[%parallel_loop3A_120], %parallel_loop3A_126 masked %parallel_loop3A_105 {add = true} : memref<7680xi32, #tpu.memory_space<vmem>>[vector<16xi32>], vector<16xi32>, vector<16xi1>
          tpu.vector_store_idx %arg15[%parallel_loop3A_120], %parallel_loop3A_94 masked %parallel_loop3A_105 {add = true} : memref<7680xf32, #tpu.memory_space<vmem>>[vector<16xi32>], vector<16xf32>, vector<16xi1>
          %parallel_loop3A_127 = arith.constant 16 : i32
          %parallel_loop3A_128 = arith.addi %parallel_loop3A_78, %parallel_loop3A_127 : i32
          %parallel_loop3A_129 = vector.broadcast %parallel_loop3A_128 : i32 to vector<16xi32>
          %parallel_loop3A_130 = arith.constant 4 : i32
          %parallel_loop3A_131 = arith.shli %parallel_loop3A_128, %parallel_loop3A_130 : i32
          %parallel_loop3A_132 = vector.broadcast %parallel_loop3A_131 : i32 to vector<16xi32>
          %parallel_loop3A_133 = arith.ori %parallel_loop3A_132, %iota3A : vector<16xi32>
          %parallel_loop3A_134 = arith.index_cast %parallel_loop3A_128 : i32 to index
          %parallel_loop3A_135 = arith.index_cast %parallel_loop3A_82 : i32 to index
          %parallel_loop3A_136 = tpu.vector_load %arg8[%parallel_loop3A_134, %parallel_loop3A_135] {strides = array<i32>} : memref<32x128xf32, #tpu.memory_space<vmem>>, vector<16xf32>,
          %parallel_loop3A_137 = arith.constant 1.500000e+01 : f32
          %parallel_loop3A_138 = vector.broadcast %parallel_loop3A_137 : f32 to vector<16xf32>
          %parallel_loop3A_139 = arith.mulf %parallel_loop3A_136, %parallel_loop3A_138 : vector<16xf32>
          %parallel_loop3A_140 = arith.fptosi %parallel_loop3A_139 : vector<16xf32> to vector<16xi32>
          %parallel_loop3A_141 = tpu.vector_load_idx %arg12[%parallel_loop3A_140] : memref<32xf32, #tpu.memory_space<vmem>>[vector<16xi32>], vector<16xf32>,
          %parallel_loop3A_142 = tpu.vector_load_idx %arg13[%parallel_loop3A_140] : memref<32xf32, #tpu.memory_space<vmem>>[vector<16xi32>], vector<16xf32>,
          %parallel_loop3A_143 = arith.cmpf oeq, %parallel_loop3A_136, %parallel_loop3A_141 : vector<16xf32>
          %parallel_loop3A_144 = arith.cmpf oeq, %parallel_loop3A_136, %parallel_loop3A_142 : vector<16xf32>
          %parallel_loop3A_145 = arith.ori %parallel_loop3A_143, %parallel_loop3A_144 : vector<16xi1>
          %parallel_loop3A_146 = arith.constant dense<true> : vector<16xi1>
          %parallel_loop3A_147 = arith.xori %parallel_loop3A_145, %parallel_loop3A_146 : vector<16xi1>
          %parallel_loop3A_148 = arith.cmpf ogt, %parallel_loop3A_136, %parallel_loop3A_142 : vector<16xf32>
          %parallel_loop3A_149 = arith.cmpf olt, %parallel_loop3A_136, %parallel_loop3A_141 : vector<16xf32>
          %parallel_loop3A_150 = arith.constant -512 : i32
          %parallel_loop3A_151 = arith.constant 0 : i32
          %parallel_loop3A_152 = vector.broadcast %parallel_loop3A_150 : i32 to vector<16xi32>
          %parallel_loop3A_153 = vector.broadcast %parallel_loop3A_151 : i32 to vector<16xi32>
          %parallel_loop3A_154 = arith.select %parallel_loop3A_149, %parallel_loop3A_152, %parallel_loop3A_153 : vector<16xi1>, vector<16xi32>
          %parallel_loop3A_155 = arith.constant 512 : i32
          %parallel_loop3A_156 = vector.broadcast %parallel_loop3A_155 : i32 to vector<16xi32>
          %parallel_loop3A_157 = arith.select %parallel_loop3A_148, %parallel_loop3A_156, %parallel_loop3A_154 : vector<16xi1>, vector<16xi32>
          %parallel_loop3A_158 = arith.constant 512 : i32
          %parallel_loop3A_159 = vector.broadcast %parallel_loop3A_158 : i32 to vector<16xi32>
          %parallel_loop3A_160 = arith.muli %parallel_loop3A_140, %parallel_loop3A_159 : vector<16xi32>
          %parallel_loop3A_161 = arith.addi %parallel_loop3A_160, %parallel_loop3A_133 : vector<16xi32>
          %parallel_loop3A_162 = arith.addi %parallel_loop3A_161, %parallel_loop3A_157 : vector<16xi32>
          %parallel_loop3A_163 = arith.cmpi eq, %parallel_loop3A_84, %parallel_loop3A_129 : vector<16xi32>
          %parallel_loop3A_164 = arith.constant 65537 : i32
          %parallel_loop3A_165 = arith.constant 65536 : i32
          %parallel_loop3A_166 = vector.broadcast %parallel_loop3A_164 : i32 to vector<16xi32>
          %parallel_loop3A_167 = vector.broadcast %parallel_loop3A_165 : i32 to vector<16xi32>
          %parallel_loop3A_168 = arith.select %parallel_loop3A_163, %parallel_loop3A_166, %parallel_loop3A_167 : vector<16xi1>, vector<16xi32>
          tpu.vector_store_idx %arg14[%parallel_loop3A_162], %parallel_loop3A_168 masked %parallel_loop3A_147 {add = true} : memref<7680xi32, #tpu.memory_space<vmem>>[vector<16xi32>], vector<16xi32>, vector<16xi1>
          tpu.vector_store_idx %arg15[%parallel_loop3A_162], %parallel_loop3A_136 masked %parallel_loop3A_147 {add = true} : memref<7680xf32, #tpu.memory_space<vmem>>[vector<16xi32>], vector<16xf32>, vector<16xi1>
        } {sc.loop_unroll_factor = 4 : i64, sc.parallel_access}
        %add3A_70 = arith.constant 2 : i32
        %add3A_71 = arith.addi %add3A_48, %add3A_70 : i32
        %lt3A_72 = arith.cmpi slt, %add3A_71, %select_n3A : i32
        %convert_element_type3A_73 = arith.extui %lt3A_72 : i1 to i32
        %cond3A_74 = arith.constant 0 : i32
        %cond3A_75 = arith.cmpi ne, %convert_element_type3A_73, %cond3A_74 : i32
        scf.if %cond3A_75 {
          %add3A_76 = arith.constant 2 : i32
          %add3A_77 = arith.addi %add3A_48, %add3A_76 : i32
          %add3A_78 = arith.addi %add3A_4, %add3A_77 : i32
          %mul3A_79 = arith.constant 128 : i32
          %mul3A_80 = arith.muli %add3A_78, %mul3A_79 : i32
          %dma_start3A_81 = arith.constant 0 : i32
          %dma_start3A_82 = tpu.memref_slice %arg2[%dma_start3A_81, %mul3A_80] : memref<32x1000000xf32, #tpu.memory_space<hbm>> -> memref<32x128xf32, #tpu.memory_space<hbm>>
          %dma_start3A_83 = arith.constant 0 : i32
          %dma_start3A_84 = tpu.memref_slice %arg2[%dma_start3A_83, %mul3A_80] : memref<32x1000000xf32, #tpu.memory_space<hbm>> -> memref<32x128xf32, #tpu.memory_space<hbm>>
          tpu.enqueue_dma source(%dma_start3A_84 : memref<32x128xf32, #tpu.memory_space<hbm>>) target(%arg8 : memref<32x128xf32, #tpu.memory_space<vmem>>) target_semaphore(%arg16 : memref<!tpu.dma_semaphore, #tpu.memory_space<semaphore_mem>>)
          %dma_start3A_85 = tpu.memref_slice %arg3[%mul3A_80] : memref<1000000xi32, #tpu.memory_space<hbm>> -> memref<128xi32, #tpu.memory_space<hbm>>
          %dma_start3A_86 = tpu.memref_slice %arg3[%mul3A_80] : memref<1000000xi32, #tpu.memory_space<hbm>> -> memref<128xi32, #tpu.memory_space<hbm>>
          tpu.enqueue_dma source(%dma_start3A_86 : memref<128xi32, #tpu.memory_space<hbm>>) target(%arg10 : memref<128xi32, #tpu.memory_space<vmem>>) target_semaphore(%arg16 : memref<!tpu.dma_semaphore, #tpu.memory_space<semaphore_mem>>)
        } else {
        }
      } else {
      }
      %mul3A_51 = arith.constant 2 : i32
      %mul3A_52 = arith.muli %mul3A_51, %scan3A_44 : i32
      %add3A_53 = arith.constant 1 : i32
      %add3A_54 = arith.addi %mul3A_52, %add3A_53 : i32
      %lt3A_55 = arith.cmpi slt, %add3A_54, %select_n3A : i32
      %convert_element_type3A_56 = arith.extui %lt3A_55 : i1 to i32
      %cond3A_57 = arith.constant 0 : i32
      %cond3A_58 = arith.cmpi ne, %convert_element_type3A_56, %cond3A_57 : i32
      scf.if %cond3A_58 {
        %dma_wait3A = arith.constant 0 : i32
        %dma_wait3A_59 = arith.constant 0 : i32
        %dma_wait3A_60 = tpu.memref_slice %arg2[%dma_wait3A, %dma_wait3A_59] : memref<32x1000000xf32, #tpu.memory_space<hbm>> -> memref<32x128xf32, #tpu.memory_space<hbm>>
        %dma_wait3A_61 = arith.constant 0 : i32
        %dma_wait3A_62 = arith.constant 0 : i32
        %dma_wait3A_63 = tpu.memref_slice %arg2[%dma_wait3A_61, %dma_wait3A_62] : memref<32x1000000xf32, #tpu.memory_space<hbm>> -> memref<32x128xf32, #tpu.memory_space<hbm>>
        tpu.wait_dma2 semaphore(%arg17 : memref<!tpu.dma_semaphore, #tpu.memory_space<semaphore_mem>>) src(%dma_wait3A_63 : memref<32x128xf32, #tpu.memory_space<hbm>>) dst(%arg9 : memref<32x128xf32, #tpu.memory_space<vmem>>)
        %dma_wait3A_64 = arith.constant 0 : i32
        %dma_wait3A_65 = tpu.memref_slice %arg3[%dma_wait3A_64] : memref<1000000xi32, #tpu.memory_space<hbm>> -> memref<128xi32, #tpu.memory_space<hbm>>
        %dma_wait3A_66 = arith.constant 0 : i32
        %dma_wait3A_67 = tpu.memref_slice %arg3[%dma_wait3A_66] : memref<1000000xi32, #tpu.memory_space<hbm>> -> memref<128xi32, #tpu.memory_space<hbm>>
        tpu.wait_dma2 semaphore(%arg17 : memref<!tpu.dma_semaphore, #tpu.memory_space<semaphore_mem>>) src(%dma_wait3A_67 : memref<128xi32, #tpu.memory_space<hbm>>) dst(%arg11 : memref<128xi32, #tpu.memory_space<vmem>>)
        %parallel_loop3A = arith.constant 0 : i32
        %parallel_loop3A_68 = arith.constant 128 : i32
        %parallel_loop3A_69 = arith.constant 1 : i32
        scf.for %parallel_loop3A_76 = %parallel_loop3A to %parallel_loop3A_68 step %parallel_loop3A_69  : i32 {
          %parallel_loop3A_77 = arith.constant 15 : i32
          %parallel_loop3A_78 = arith.andi %parallel_loop3A_76, %parallel_loop3A_77 : i32
          %parallel_loop3A_79 = arith.constant 4 : i32
          %parallel_loop3A_80 = arith.shrsi %parallel_loop3A_76, %parallel_loop3A_79 : i32
          %parallel_loop3A_81 = arith.constant 16 : i32
          %parallel_loop3A_82 = arith.muli %parallel_loop3A_80, %parallel_loop3A_81 : i32
          %parallel_loop3A_83 = arith.index_cast %parallel_loop3A_82 : i32 to index
          %parallel_loop3A_84 = tpu.vector_load %arg11[%parallel_loop3A_83] {strides = array<i32>} : memref<128xi32, #tpu.memory_space<vmem>>, vector<16xi32>,
          %parallel_loop3A_85 = arith.constant 0 : i32
          %parallel_loop3A_86 = arith.addi %parallel_loop3A_78, %parallel_loop3A_85 : i32
          %parallel_loop3A_87 = vector.broadcast %parallel_loop3A_86 : i32 to vector<16xi32>
          %parallel_loop3A_88 = arith.constant 4 : i32
          %parallel_loop3A_89 = arith.shli %parallel_loop3A_86, %parallel_loop3A_88 : i32
          %parallel_loop3A_90 = vector.broadcast %parallel_loop3A_89 : i32 to vector<16xi32>
          %parallel_loop3A_91 = arith.ori %parallel_loop3A_90, %iota3A : vector<16xi32>
          %parallel_loop3A_92 = arith.index_cast %parallel_loop3A_86 : i32 to index
          %parallel_loop3A_93 = arith.index_cast %parallel_loop3A_82 : i32 to index
          %parallel_loop3A_94 = tpu.vector_load %arg9[%parallel_loop3A_92, %parallel_loop3A_93] {strides = array<i32>} : memref<32x128xf32, #tpu.memory_space<vmem>>, vector<16xf32>,
          %parallel_loop3A_95 = arith.constant 1.500000e+01 : f32
          %parallel_loop3A_96 = vector.broadcast %parallel_loop3A_95 : f32 to vector<16xf32>
          %parallel_loop3A_97 = arith.mulf %parallel_loop3A_94, %parallel_loop3A_96 : vector<16xf32>
          %parallel_loop3A_98 = arith.fptosi %parallel_loop3A_97 : vector<16xf32> to vector<16xi32>
          %parallel_loop3A_99 = tpu.vector_load_idx %arg12[%parallel_loop3A_98] : memref<32xf32, #tpu.memory_space<vmem>>[vector<16xi32>], vector<16xf32>,
          %parallel_loop3A_100 = tpu.vector_load_idx %arg13[%parallel_loop3A_98] : memref<32xf32, #tpu.memory_space<vmem>>[vector<16xi32>], vector<16xf32>,
          %parallel_loop3A_101 = arith.cmpf oeq, %parallel_loop3A_94, %parallel_loop3A_99 : vector<16xf32>
          %parallel_loop3A_102 = arith.cmpf oeq, %parallel_loop3A_94, %parallel_loop3A_100 : vector<16xf32>
          %parallel_loop3A_103 = arith.ori %parallel_loop3A_101, %parallel_loop3A_102 : vector<16xi1>
          %parallel_loop3A_104 = arith.constant dense<true> : vector<16xi1>
          %parallel_loop3A_105 = arith.xori %parallel_loop3A_103, %parallel_loop3A_104 : vector<16xi1>
          %parallel_loop3A_106 = arith.cmpf ogt, %parallel_loop3A_94, %parallel_loop3A_100 : vector<16xf32>
          %parallel_loop3A_107 = arith.cmpf olt, %parallel_loop3A_94, %parallel_loop3A_99 : vector<16xf32>
          %parallel_loop3A_108 = arith.constant -512 : i32
          %parallel_loop3A_109 = arith.constant 0 : i32
          %parallel_loop3A_110 = vector.broadcast %parallel_loop3A_108 : i32 to vector<16xi32>
          %parallel_loop3A_111 = vector.broadcast %parallel_loop3A_109 : i32 to vector<16xi32>
          %parallel_loop3A_112 = arith.select %parallel_loop3A_107, %parallel_loop3A_110, %parallel_loop3A_111 : vector<16xi1>, vector<16xi32>
          %parallel_loop3A_113 = arith.constant 512 : i32
          %parallel_loop3A_114 = vector.broadcast %parallel_loop3A_113 : i32 to vector<16xi32>
          %parallel_loop3A_115 = arith.select %parallel_loop3A_106, %parallel_loop3A_114, %parallel_loop3A_112 : vector<16xi1>, vector<16xi32>
          %parallel_loop3A_116 = arith.constant 512 : i32
          %parallel_loop3A_117 = vector.broadcast %parallel_loop3A_116 : i32 to vector<16xi32>
          %parallel_loop3A_118 = arith.muli %parallel_loop3A_98, %parallel_loop3A_117 : vector<16xi32>
          %parallel_loop3A_119 = arith.addi %parallel_loop3A_118, %parallel_loop3A_91 : vector<16xi32>
          %parallel_loop3A_120 = arith.addi %parallel_loop3A_119, %parallel_loop3A_115 : vector<16xi32>
          %parallel_loop3A_121 = arith.cmpi eq, %parallel_loop3A_84, %parallel_loop3A_87 : vector<16xi32>
          %parallel_loop3A_122 = arith.constant 65537 : i32
          %parallel_loop3A_123 = arith.constant 65536 : i32
          %parallel_loop3A_124 = vector.broadcast %parallel_loop3A_122 : i32 to vector<16xi32>
          %parallel_loop3A_125 = vector.broadcast %parallel_loop3A_123 : i32 to vector<16xi32>
          %parallel_loop3A_126 = arith.select %parallel_loop3A_121, %parallel_loop3A_124, %parallel_loop3A_125 : vector<16xi1>, vector<16xi32>
          tpu.vector_store_idx %arg14[%parallel_loop3A_120], %parallel_loop3A_126 masked %parallel_loop3A_105 {add = true} : memref<7680xi32, #tpu.memory_space<vmem>>[vector<16xi32>], vector<16xi32>, vector<16xi1>
          tpu.vector_store_idx %arg15[%parallel_loop3A_120], %parallel_loop3A_94 masked %parallel_loop3A_105 {add = true} : memref<7680xf32, #tpu.memory_space<vmem>>[vector<16xi32>], vector<16xf32>, vector<16xi1>
          %parallel_loop3A_127 = arith.constant 16 : i32
          %parallel_loop3A_128 = arith.addi %parallel_loop3A_78, %parallel_loop3A_127 : i32
          %parallel_loop3A_129 = vector.broadcast %parallel_loop3A_128 : i32 to vector<16xi32>
          %parallel_loop3A_130 = arith.constant 4 : i32
          %parallel_loop3A_131 = arith.shli %parallel_loop3A_128, %parallel_loop3A_130 : i32
          %parallel_loop3A_132 = vector.broadcast %parallel_loop3A_131 : i32 to vector<16xi32>
          %parallel_loop3A_133 = arith.ori %parallel_loop3A_132, %iota3A : vector<16xi32>
          %parallel_loop3A_134 = arith.index_cast %parallel_loop3A_128 : i32 to index
          %parallel_loop3A_135 = arith.index_cast %parallel_loop3A_82 : i32 to index
          %parallel_loop3A_136 = tpu.vector_load %arg9[%parallel_loop3A_134, %parallel_loop3A_135] {strides = array<i32>} : memref<32x128xf32, #tpu.memory_space<vmem>>, vector<16xf32>,
          %parallel_loop3A_137 = arith.constant 1.500000e+01 : f32
          %parallel_loop3A_138 = vector.broadcast %parallel_loop3A_137 : f32 to vector<16xf32>
          %parallel_loop3A_139 = arith.mulf %parallel_loop3A_136, %parallel_loop3A_138 : vector<16xf32>
          %parallel_loop3A_140 = arith.fptosi %parallel_loop3A_139 : vector<16xf32> to vector<16xi32>
          %parallel_loop3A_141 = tpu.vector_load_idx %arg12[%parallel_loop3A_140] : memref<32xf32, #tpu.memory_space<vmem>>[vector<16xi32>], vector<16xf32>,
          %parallel_loop3A_142 = tpu.vector_load_idx %arg13[%parallel_loop3A_140] : memref<32xf32, #tpu.memory_space<vmem>>[vector<16xi32>], vector<16xf32>,
          %parallel_loop3A_143 = arith.cmpf oeq, %parallel_loop3A_136, %parallel_loop3A_141 : vector<16xf32>
          %parallel_loop3A_144 = arith.cmpf oeq, %parallel_loop3A_136, %parallel_loop3A_142 : vector<16xf32>
          %parallel_loop3A_145 = arith.ori %parallel_loop3A_143, %parallel_loop3A_144 : vector<16xi1>
          %parallel_loop3A_146 = arith.constant dense<true> : vector<16xi1>
          %parallel_loop3A_147 = arith.xori %parallel_loop3A_145, %parallel_loop3A_146 : vector<16xi1>
          %parallel_loop3A_148 = arith.cmpf ogt, %parallel_loop3A_136, %parallel_loop3A_142 : vector<16xf32>
          %parallel_loop3A_149 = arith.cmpf olt, %parallel_loop3A_136, %parallel_loop3A_141 : vector<16xf32>
          %parallel_loop3A_150 = arith.constant -512 : i32
          %parallel_loop3A_151 = arith.constant 0 : i32
          %parallel_loop3A_152 = vector.broadcast %parallel_loop3A_150 : i32 to vector<16xi32>
          %parallel_loop3A_153 = vector.broadcast %parallel_loop3A_151 : i32 to vector<16xi32>
          %parallel_loop3A_154 = arith.select %parallel_loop3A_149, %parallel_loop3A_152, %parallel_loop3A_153 : vector<16xi1>, vector<16xi32>
          %parallel_loop3A_155 = arith.constant 512 : i32
          %parallel_loop3A_156 = vector.broadcast %parallel_loop3A_155 : i32 to vector<16xi32>
          %parallel_loop3A_157 = arith.select %parallel_loop3A_148, %parallel_loop3A_156, %parallel_loop3A_154 : vector<16xi1>, vector<16xi32>
          %parallel_loop3A_158 = arith.constant 512 : i32
          %parallel_loop3A_159 = vector.broadcast %parallel_loop3A_158 : i32 to vector<16xi32>
          %parallel_loop3A_160 = arith.muli %parallel_loop3A_140, %parallel_loop3A_159 : vector<16xi32>
          %parallel_loop3A_161 = arith.addi %parallel_loop3A_160, %parallel_loop3A_133 : vector<16xi32>
          %parallel_loop3A_162 = arith.addi %parallel_loop3A_161, %parallel_loop3A_157 : vector<16xi32>
          %parallel_loop3A_163 = arith.cmpi eq, %parallel_loop3A_84, %parallel_loop3A_129 : vector<16xi32>
          %parallel_loop3A_164 = arith.constant 65537 : i32
          %parallel_loop3A_165 = arith.constant 65536 : i32
          %parallel_loop3A_166 = vector.broadcast %parallel_loop3A_164 : i32 to vector<16xi32>
          %parallel_loop3A_167 = vector.broadcast %parallel_loop3A_165 : i32 to vector<16xi32>
          %parallel_loop3A_168 = arith.select %parallel_loop3A_163, %parallel_loop3A_166, %parallel_loop3A_167 : vector<16xi1>, vector<16xi32>
          tpu.vector_store_idx %arg14[%parallel_loop3A_162], %parallel_loop3A_168 masked %parallel_loop3A_147 {add = true} : memref<7680xi32, #tpu.memory_space<vmem>>[vector<16xi32>], vector<16xi32>, vector<16xi1>
          tpu.vector_store_idx %arg15[%parallel_loop3A_162], %parallel_loop3A_136 masked %parallel_loop3A_147 {add = true} : memref<7680xf32, #tpu.memory_space<vmem>>[vector<16xi32>], vector<16xf32>, vector<16xi1>
        } {sc.loop_unroll_factor = 4 : i64, sc.parallel_access}
        %add3A_70 = arith.constant 2 : i32
        %add3A_71 = arith.addi %add3A_54, %add3A_70 : i32
        %lt3A_72 = arith.cmpi slt, %add3A_71, %select_n3A : i32
        %convert_element_type3A_73 = arith.extui %lt3A_72 : i1 to i32
        %cond3A_74 = arith.constant 0 : i32
        %cond3A_75 = arith.cmpi ne, %convert_element_type3A_73, %cond3A_74 : i32
        scf.if %cond3A_75 {
          %add3A_76 = arith.constant 2 : i32
          %add3A_77 = arith.addi %add3A_54, %add3A_76 : i32
          %add3A_78 = arith.addi %add3A_4, %add3A_77 : i32
          %mul3A_79 = arith.constant 128 : i32
          %mul3A_80 = arith.muli %add3A_78, %mul3A_79 : i32
          %dma_start3A_81 = arith.constant 0 : i32
          %dma_start3A_82 = tpu.memref_slice %arg2[%dma_start3A_81, %mul3A_80] : memref<32x1000000xf32, #tpu.memory_space<hbm>> -> memref<32x128xf32, #tpu.memory_space<hbm>>
          %dma_start3A_83 = arith.constant 0 : i32
          %dma_start3A_84 = tpu.memref_slice %arg2[%dma_start3A_83, %mul3A_80] : memref<32x1000000xf32, #tpu.memory_space<hbm>> -> memref<32x128xf32, #tpu.memory_space<hbm>>
          tpu.enqueue_dma source(%dma_start3A_84 : memref<32x128xf32, #tpu.memory_space<hbm>>) target(%arg9 : memref<32x128xf32, #tpu.memory_space<vmem>>) target_semaphore(%arg17 : memref<!tpu.dma_semaphore, #tpu.memory_space<semaphore_mem>>)
          %dma_start3A_85 = tpu.memref_slice %arg3[%mul3A_80] : memref<1000000xi32, #tpu.memory_space<hbm>> -> memref<128xi32, #tpu.memory_space<hbm>>
          %dma_start3A_86 = tpu.memref_slice %arg3[%mul3A_80] : memref<1000000xi32, #tpu.memory_space<hbm>> -> memref<128xi32, #tpu.memory_space<hbm>>
          tpu.enqueue_dma source(%dma_start3A_86 : memref<128xi32, #tpu.memory_space<hbm>>) target(%arg11 : memref<128xi32, #tpu.memory_space<vmem>>) target_semaphore(%arg17 : memref<!tpu.dma_semaphore, #tpu.memory_space<semaphore_mem>>)
        } else {
        }
      } else {
      }
    }
    %scan3A_39 = arith.constant 123 : i32
    %mul3A_40 = arith.constant 7680 : i32
    %mul3A_41 = arith.muli %add3A, %mul3A_40 : i32
    "tpu.region"() ({
      %run_scoped3A = tpu.sem_alloc : memref<!tpu.dma_semaphore, #tpu.memory_space<semaphore_mem>>
      %dma_start3A_44 = tpu.memref_slice %arg6[%mul3A_41] : memref<245760xi32, #tpu.memory_space<hbm>> -> memref<7680xi32, #tpu.memory_space<hbm>>
      %dma_start3A_45 = tpu.memref_slice %arg6[%mul3A_41] : memref<245760xi32, #tpu.memory_space<hbm>> -> memref<7680xi32, #tpu.memory_space<hbm>>
      tpu.enqueue_dma source(%arg14 : memref<7680xi32, #tpu.memory_space<vmem>>) target(%dma_start3A_45 : memref<7680xi32, #tpu.memory_space<hbm>>) target_semaphore(%run_scoped3A : memref<!tpu.dma_semaphore, #tpu.memory_space<semaphore_mem>>)
      %dma_wait3A = tpu.memref_slice %arg6[%mul3A_41] : memref<245760xi32, #tpu.memory_space<hbm>> -> memref<7680xi32, #tpu.memory_space<hbm>>
      %dma_wait3A_46 = tpu.memref_slice %arg6[%mul3A_41] : memref<245760xi32, #tpu.memory_space<hbm>> -> memref<7680xi32, #tpu.memory_space<hbm>>
      tpu.wait_dma2 semaphore(%run_scoped3A : memref<!tpu.dma_semaphore, #tpu.memory_space<semaphore_mem>>) src(%arg14 : memref<7680xi32, #tpu.memory_space<vmem>>) dst(%dma_wait3A_46 : memref<7680xi32, #tpu.memory_space<hbm>>)
      tpu.yield
    }) : () -> ()
    %mul3A_42 = arith.constant 7680 : i32
    %mul3A_43 = arith.muli %add3A, %mul3A_42 : i32
    "tpu.region"() ({
      %run_scoped3A = tpu.sem_alloc : memref<!tpu.dma_semaphore, #tpu.memory_space<semaphore_mem>>
      %dma_start3A_44 = tpu.memref_slice %arg7[%mul3A_43] : memref<245760xf32, #tpu.memory_space<hbm>> -> memref<7680xf32, #tpu.memory_space<hbm>>
      %dma_start3A_45 = tpu.memref_slice %arg7[%mul3A_43] : memref<245760xf32, #tpu.memory_space<hbm>> -> memref<7680xf32, #tpu.memory_space<hbm>>
      tpu.enqueue_dma source(%arg15 : memref<7680xf32, #tpu.memory_space<vmem>>) target(%dma_start3A_45 : memref<7680xf32, #tpu.memory_space<hbm>>) target_semaphore(%run_scoped3A : memref<!tpu.dma_semaphore, #tpu.memory_space<semaphore_mem>>)
      %dma_wait3A = tpu.memref_slice %arg7[%mul3A_43] : memref<245760xf32, #tpu.memory_space<hbm>> -> memref<7680xf32, #tpu.memory_space<hbm>>
      %dma_wait3A_46 = tpu.memref_slice %arg7[%mul3A_43] : memref<245760xf32, #tpu.memory_space<hbm>> -> memref<7680xf32, #tpu.memory_space<hbm>>
      tpu.wait_dma2 semaphore(%run_scoped3A : memref<!tpu.dma_semaphore, #tpu.memory_space<semaphore_mem>>) src(%arg15 : memref<7680xf32, #tpu.memory_space<vmem>>) dst(%dma_wait3A_46 : memref<7680xf32, #tpu.memory_space<hbm>>)
      tpu.yield
    }) : () -> ()
    return
  }
}

module attributes {stable_mosaic.version = 14 : i64} {
  func.func @_tc_final_body(%arg0: memref<32x15x32x16xi32, #tpu.memory_space<vmem>>, %arg1: memref<32x15x32x16xf32, #tpu.memory_space<vmem>>, %arg2: memref<32x64xf32, #tpu.memory_space<vmem>>, %arg3: memref<1x64xi32, #tpu.memory_space<vmem>>, %arg4: memref<16xf32, #tpu.memory_space<smem>>, %arg5: memref<1x1xf32, #tpu.memory_space<smem>>) attributes {dimension_semantics = [], scalar_prefetch = 0 : i64, scratch_operands = 0 : i64, tpu.core_type = #tpu.core_type<tc>} {
    %get3A = arith.constant 0 : index
    %get3A_0 = arith.constant 0 : index
    %get3A_1 = arith.constant 0 : index
    %get3A_2 = arith.constant 0 : index
    %get3A_3 = vector.load %arg0[%get3A, %get3A_0, %get3A_1, %get3A_2] : memref<32x15x32x16xi32, #tpu.memory_space<vmem>>, vector<32x15x32x16xi32>
    %reduce_sum3A = arith.constant dense<0> : vector<32x15x32xi32>
    %reduce_sum3A_4 = vector.multi_reduction <add>, %get3A_3, %reduce_sum3A [3] : vector<32x15x32x16xi32> to vector<32x15x32xi32>
    %shift_right_arithmetic3A = arith.constant 16 : i32
    %shift_right_arithmetic3A_5 = vector.broadcast %shift_right_arithmetic3A : i32 to vector<32x15x32xi32>
    %shift_right_arithmetic3A_6 = arith.shrsi %reduce_sum3A_4, %shift_right_arithmetic3A_5 : vector<32x15x32xi32>
    %convert_element_type3A = arith.sitofp %shift_right_arithmetic3A_6 : vector<32x15x32xi32> to vector<32x15x32xf32>
    %reduce_sum3A_7 = arith.constant dense<0.000000e+00> : vector<15x32xf32>
    %reduce_sum3A_8 = vector.multi_reduction <add>, %convert_element_type3A, %reduce_sum3A_7 [0] : vector<32x15x32xf32> to vector<15x32xf32>
    %and3A = arith.constant 65535 : i32
    %and3A_9 = vector.broadcast %and3A : i32 to vector<32x15x32xi32>
    %and3A_10 = arith.andi %reduce_sum3A_4, %and3A_9 : vector<32x15x32xi32>
    %convert_element_type3A_11 = arith.sitofp %and3A_10 : vector<32x15x32xi32> to vector<32x15x32xf32>
    %reduce_sum3A_12 = arith.constant dense<0.000000e+00> : vector<15x32xf32>
    %reduce_sum3A_13 = vector.multi_reduction <add>, %convert_element_type3A_11, %reduce_sum3A_12 [0] : vector<32x15x32xf32> to vector<15x32xf32>
    %get3A_14 = arith.constant 0 : index
    %get3A_15 = arith.constant 0 : index
    %get3A_16 = arith.constant 0 : index
    %get3A_17 = arith.constant 0 : index
    %get3A_18 = vector.load %arg1[%get3A_14, %get3A_15, %get3A_16, %get3A_17] : memref<32x15x32x16xf32, #tpu.memory_space<vmem>>, vector<32x15x32x16xf32>
    %reduce_sum3A_19 = arith.constant dense<0.000000e+00> : vector<32x15x32xf32>
    %reduce_sum3A_20 = vector.multi_reduction <add>, %get3A_18, %reduce_sum3A_19 [3] : vector<32x15x32x16xf32> to vector<32x15x32xf32>
    %reduce_sum3A_21 = arith.constant dense<0.000000e+00> : vector<15x32xf32>
    %reduce_sum3A_22 = vector.multi_reduction <add>, %reduce_sum3A_20, %reduce_sum3A_21 [0] : vector<32x15x32xf32> to vector<15x32xf32>
    %get3A_23 = arith.constant 0 : index
    %get3A_24 = arith.constant 0 : index
    %get3A_25 = vector.load %arg2[%get3A_23, %get3A_24] : memref<32x64xf32, #tpu.memory_space<vmem>>, vector<32x64xf32>
    %get3A_26 = arith.constant 0 : index
    %get3A_27 = arith.constant 0 : index
    %get3A_28 = vector.load %arg3[%get3A_26, %get3A_27] : memref<1x64xi32, #tpu.memory_space<vmem>>, vector<1x64xi32>
    %iota3A = tpu.iota {dimensions = array<i32: 0>} : vector<32x64xi32>
    %eq3A = vector.broadcast %get3A_28 : vector<1x64xi32> to vector<32x64xi32>
    %eq3A_29 = arith.cmpi eq, %eq3A, %iota3A : vector<32x64xi32>
    %get3A_30 = arith.constant 0 : index
    %get3A_31 = memref.load %arg4[%get3A_30] : memref<16xf32, #tpu.memory_space<smem>>
    %get3A_32 = arith.constant 1 : index
    %get3A_33 = memref.load %arg4[%get3A_32] : memref<16xf32, #tpu.memory_space<smem>>
    %lt3A = vector.broadcast %get3A_31 : f32 to vector<32x64xf32>
    %lt3A_34 = arith.cmpf olt, %lt3A, %get3A_25 : vector<32x64xf32>
    %lt3A_35 = vector.broadcast %get3A_33 : f32 to vector<32x64xf32>
    %lt3A_36 = arith.cmpf olt, %get3A_25, %lt3A_35 : vector<32x64xf32>
    %and3A_37 = arith.andi %lt3A_34, %lt3A_36 : vector<32x64xi1>
    %jit3A = arith.constant 1.000000e+00 : f32
    %jit3A_38 = arith.constant 0.000000e+00 : f32
    %broadcast_in_dim3A = vector.broadcast %jit3A : f32 to vector<32x64xf32>
    %broadcast_in_dim3A_39 = vector.broadcast %jit3A_38 : f32 to vector<32x64xf32>
    %select_n3A = arith.select %and3A_37, %broadcast_in_dim3A, %broadcast_in_dim3A_39 : vector<32x64xi1>, vector<32x64xf32>
    %reduce_sum3A_40 = arith.constant dense<0.000000e+00> : vector<32xf32>
    %reduce_sum3A_41 = vector.multi_reduction <add>, %select_n3A, %reduce_sum3A_40 [1] : vector<32x64xf32> to vector<32xf32>
    %jit3A_42 = arith.constant 0.000000e+00 : f32
    %broadcast_in_dim3A_43 = vector.broadcast %jit3A_42 : f32 to vector<32x64xf32>
    %select_n3A_44 = arith.select %and3A_37, %get3A_25, %broadcast_in_dim3A_43 : vector<32x64xi1>, vector<32x64xf32>
    %reduce_sum3A_45 = arith.constant dense<0.000000e+00> : vector<32xf32>
    %reduce_sum3A_46 = vector.multi_reduction <add>, %select_n3A_44, %reduce_sum3A_45 [1] : vector<32x64xf32> to vector<32xf32>
    %and3A_47 = arith.andi %and3A_37, %eq3A_29 : vector<32x64xi1>
    %jit3A_48 = arith.constant 1.000000e+00 : f32
    %jit3A_49 = arith.constant 0.000000e+00 : f32
    %broadcast_in_dim3A_50 = vector.broadcast %jit3A_48 : f32 to vector<32x64xf32>
    %broadcast_in_dim3A_51 = vector.broadcast %jit3A_49 : f32 to vector<32x64xf32>
    %select_n3A_52 = arith.select %and3A_47, %broadcast_in_dim3A_50, %broadcast_in_dim3A_51 : vector<32x64xi1>, vector<32x64xf32>
    %reduce_sum3A_53 = arith.constant dense<0.000000e+00> : vector<32xf32>
    %reduce_sum3A_54 = vector.multi_reduction <add>, %select_n3A_52, %reduce_sum3A_53 [1] : vector<32x64xf32> to vector<32xf32>
    %get3A_55 = arith.constant 1 : index
    %get3A_56 = memref.load %arg4[%get3A_55] : memref<16xf32, #tpu.memory_space<smem>>
    %get3A_57 = arith.constant 2 : index
    %get3A_58 = memref.load %arg4[%get3A_57] : memref<16xf32, #tpu.memory_space<smem>>
    %lt3A_59 = vector.broadcast %get3A_56 : f32 to vector<32x64xf32>
    %lt3A_60 = arith.cmpf olt, %lt3A_59, %get3A_25 : vector<32x64xf32>
    %lt3A_61 = vector.broadcast %get3A_58 : f32 to vector<32x64xf32>
    %lt3A_62 = arith.cmpf olt, %get3A_25, %lt3A_61 : vector<32x64xf32>
    %and3A_63 = arith.andi %lt3A_60, %lt3A_62 : vector<32x64xi1>
    %jit3A_64 = arith.constant 1.000000e+00 : f32
    %jit3A_65 = arith.constant 0.000000e+00 : f32
    %broadcast_in_dim3A_66 = vector.broadcast %jit3A_64 : f32 to vector<32x64xf32>
    %broadcast_in_dim3A_67 = vector.broadcast %jit3A_65 : f32 to vector<32x64xf32>
    %select_n3A_68 = arith.select %and3A_63, %broadcast_in_dim3A_66, %broadcast_in_dim3A_67 : vector<32x64xi1>, vector<32x64xf32>
    %reduce_sum3A_69 = arith.constant dense<0.000000e+00> : vector<32xf32>
    %reduce_sum3A_70 = vector.multi_reduction <add>, %select_n3A_68, %reduce_sum3A_69 [1] : vector<32x64xf32> to vector<32xf32>
    %jit3A_71 = arith.constant 0.000000e+00 : f32
    %broadcast_in_dim3A_72 = vector.broadcast %jit3A_71 : f32 to vector<32x64xf32>
    %select_n3A_73 = arith.select %and3A_63, %get3A_25, %broadcast_in_dim3A_72 : vector<32x64xi1>, vector<32x64xf32>
    %reduce_sum3A_74 = arith.constant dense<0.000000e+00> : vector<32xf32>
    %reduce_sum3A_75 = vector.multi_reduction <add>, %select_n3A_73, %reduce_sum3A_74 [1] : vector<32x64xf32> to vector<32xf32>
    %and3A_76 = arith.andi %and3A_63, %eq3A_29 : vector<32x64xi1>
    %jit3A_77 = arith.constant 1.000000e+00 : f32
    %jit3A_78 = arith.constant 0.000000e+00 : f32
    %broadcast_in_dim3A_79 = vector.broadcast %jit3A_77 : f32 to vector<32x64xf32>
    %broadcast_in_dim3A_80 = vector.broadcast %jit3A_78 : f32 to vector<32x64xf32>
    %select_n3A_81 = arith.select %and3A_76, %broadcast_in_dim3A_79, %broadcast_in_dim3A_80 : vector<32x64xi1>, vector<32x64xf32>
    %reduce_sum3A_82 = arith.constant dense<0.000000e+00> : vector<32xf32>
    %reduce_sum3A_83 = vector.multi_reduction <add>, %select_n3A_81, %reduce_sum3A_82 [1] : vector<32x64xf32> to vector<32xf32>
    %get3A_84 = arith.constant 2 : index
    %get3A_85 = memref.load %arg4[%get3A_84] : memref<16xf32, #tpu.memory_space<smem>>
    %get3A_86 = arith.constant 3 : index
    %get3A_87 = memref.load %arg4[%get3A_86] : memref<16xf32, #tpu.memory_space<smem>>
    %lt3A_88 = vector.broadcast %get3A_85 : f32 to vector<32x64xf32>
    %lt3A_89 = arith.cmpf olt, %lt3A_88, %get3A_25 : vector<32x64xf32>
    %lt3A_90 = vector.broadcast %get3A_87 : f32 to vector<32x64xf32>
    %lt3A_91 = arith.cmpf olt, %get3A_25, %lt3A_90 : vector<32x64xf32>
    %and3A_92 = arith.andi %lt3A_89, %lt3A_91 : vector<32x64xi1>
    %jit3A_93 = arith.constant 1.000000e+00 : f32
    %jit3A_94 = arith.constant 0.000000e+00 : f32
    %broadcast_in_dim3A_95 = vector.broadcast %jit3A_93 : f32 to vector<32x64xf32>
    %broadcast_in_dim3A_96 = vector.broadcast %jit3A_94 : f32 to vector<32x64xf32>
    %select_n3A_97 = arith.select %and3A_92, %broadcast_in_dim3A_95, %broadcast_in_dim3A_96 : vector<32x64xi1>, vector<32x64xf32>
    %reduce_sum3A_98 = arith.constant dense<0.000000e+00> : vector<32xf32>
    %reduce_sum3A_99 = vector.multi_reduction <add>, %select_n3A_97, %reduce_sum3A_98 [1] : vector<32x64xf32> to vector<32xf32>
    %jit3A_100 = arith.constant 0.000000e+00 : f32
    %broadcast_in_dim3A_101 = vector.broadcast %jit3A_100 : f32 to vector<32x64xf32>
    %select_n3A_102 = arith.select %and3A_92, %get3A_25, %broadcast_in_dim3A_101 : vector<32x64xi1>, vector<32x64xf32>
    %reduce_sum3A_103 = arith.constant dense<0.000000e+00> : vector<32xf32>
    %reduce_sum3A_104 = vector.multi_reduction <add>, %select_n3A_102, %reduce_sum3A_103 [1] : vector<32x64xf32> to vector<32xf32>
    %and3A_105 = arith.andi %and3A_92, %eq3A_29 : vector<32x64xi1>
    %jit3A_106 = arith.constant 1.000000e+00 : f32
    %jit3A_107 = arith.constant 0.000000e+00 : f32
    %broadcast_in_dim3A_108 = vector.broadcast %jit3A_106 : f32 to vector<32x64xf32>
    %broadcast_in_dim3A_109 = vector.broadcast %jit3A_107 : f32 to vector<32x64xf32>
    %select_n3A_110 = arith.select %and3A_105, %broadcast_in_dim3A_108, %broadcast_in_dim3A_109 : vector<32x64xi1>, vector<32x64xf32>
    %reduce_sum3A_111 = arith.constant dense<0.000000e+00> : vector<32xf32>
    %reduce_sum3A_112 = vector.multi_reduction <add>, %select_n3A_110, %reduce_sum3A_111 [1] : vector<32x64xf32> to vector<32xf32>
    %get3A_113 = arith.constant 3 : index
    %get3A_114 = memref.load %arg4[%get3A_113] : memref<16xf32, #tpu.memory_space<smem>>
    %get3A_115 = arith.constant 4 : index
    %get3A_116 = memref.load %arg4[%get3A_115] : memref<16xf32, #tpu.memory_space<smem>>
    %lt3A_117 = vector.broadcast %get3A_114 : f32 to vector<32x64xf32>
    %lt3A_118 = arith.cmpf olt, %lt3A_117, %get3A_25 : vector<32x64xf32>
    %lt3A_119 = vector.broadcast %get3A_116 : f32 to vector<32x64xf32>
    %lt3A_120 = arith.cmpf olt, %get3A_25, %lt3A_119 : vector<32x64xf32>
    %and3A_121 = arith.andi %lt3A_118, %lt3A_120 : vector<32x64xi1>
    %jit3A_122 = arith.constant 1.000000e+00 : f32
    %jit3A_123 = arith.constant 0.000000e+00 : f32
    %broadcast_in_dim3A_124 = vector.broadcast %jit3A_122 : f32 to vector<32x64xf32>
    %broadcast_in_dim3A_125 = vector.broadcast %jit3A_123 : f32 to vector<32x64xf32>
    %select_n3A_126 = arith.select %and3A_121, %broadcast_in_dim3A_124, %broadcast_in_dim3A_125 : vector<32x64xi1>, vector<32x64xf32>
    %reduce_sum3A_127 = arith.constant dense<0.000000e+00> : vector<32xf32>
    %reduce_sum3A_128 = vector.multi_reduction <add>, %select_n3A_126, %reduce_sum3A_127 [1] : vector<32x64xf32> to vector<32xf32>
    %jit3A_129 = arith.constant 0.000000e+00 : f32
    %broadcast_in_dim3A_130 = vector.broadcast %jit3A_129 : f32 to vector<32x64xf32>
    %select_n3A_131 = arith.select %and3A_121, %get3A_25, %broadcast_in_dim3A_130 : vector<32x64xi1>, vector<32x64xf32>
    %reduce_sum3A_132 = arith.constant dense<0.000000e+00> : vector<32xf32>
    %reduce_sum3A_133 = vector.multi_reduction <add>, %select_n3A_131, %reduce_sum3A_132 [1] : vector<32x64xf32> to vector<32xf32>
    %and3A_134 = arith.andi %and3A_121, %eq3A_29 : vector<32x64xi1>
    %jit3A_135 = arith.constant 1.000000e+00 : f32
    %jit3A_136 = arith.constant 0.000000e+00 : f32
    %broadcast_in_dim3A_137 = vector.broadcast %jit3A_135 : f32 to vector<32x64xf32>
    %broadcast_in_dim3A_138 = vector.broadcast %jit3A_136 : f32 to vector<32x64xf32>
    %select_n3A_139 = arith.select %and3A_134, %broadcast_in_dim3A_137, %broadcast_in_dim3A_138 : vector<32x64xi1>, vector<32x64xf32>
    %reduce_sum3A_140 = arith.constant dense<0.000000e+00> : vector<32xf32>
    %reduce_sum3A_141 = vector.multi_reduction <add>, %select_n3A_139, %reduce_sum3A_140 [1] : vector<32x64xf32> to vector<32xf32>
    %get3A_142 = arith.constant 4 : index
    %get3A_143 = memref.load %arg4[%get3A_142] : memref<16xf32, #tpu.memory_space<smem>>
    %get3A_144 = arith.constant 5 : index
    %get3A_145 = memref.load %arg4[%get3A_144] : memref<16xf32, #tpu.memory_space<smem>>
    %lt3A_146 = vector.broadcast %get3A_143 : f32 to vector<32x64xf32>
    %lt3A_147 = arith.cmpf olt, %lt3A_146, %get3A_25 : vector<32x64xf32>
    %lt3A_148 = vector.broadcast %get3A_145 : f32 to vector<32x64xf32>
    %lt3A_149 = arith.cmpf olt, %get3A_25, %lt3A_148 : vector<32x64xf32>
    %and3A_150 = arith.andi %lt3A_147, %lt3A_149 : vector<32x64xi1>
    %jit3A_151 = arith.constant 1.000000e+00 : f32
    %jit3A_152 = arith.constant 0.000000e+00 : f32
    %broadcast_in_dim3A_153 = vector.broadcast %jit3A_151 : f32 to vector<32x64xf32>
    %broadcast_in_dim3A_154 = vector.broadcast %jit3A_152 : f32 to vector<32x64xf32>
    %select_n3A_155 = arith.select %and3A_150, %broadcast_in_dim3A_153, %broadcast_in_dim3A_154 : vector<32x64xi1>, vector<32x64xf32>
    %reduce_sum3A_156 = arith.constant dense<0.000000e+00> : vector<32xf32>
    %reduce_sum3A_157 = vector.multi_reduction <add>, %select_n3A_155, %reduce_sum3A_156 [1] : vector<32x64xf32> to vector<32xf32>
    %jit3A_158 = arith.constant 0.000000e+00 : f32
    %broadcast_in_dim3A_159 = vector.broadcast %jit3A_158 : f32 to vector<32x64xf32>
    %select_n3A_160 = arith.select %and3A_150, %get3A_25, %broadcast_in_dim3A_159 : vector<32x64xi1>, vector<32x64xf32>
    %reduce_sum3A_161 = arith.constant dense<0.000000e+00> : vector<32xf32>
    %reduce_sum3A_162 = vector.multi_reduction <add>, %select_n3A_160, %reduce_sum3A_161 [1] : vector<32x64xf32> to vector<32xf32>
    %and3A_163 = arith.andi %and3A_150, %eq3A_29 : vector<32x64xi1>
    %jit3A_164 = arith.constant 1.000000e+00 : f32
    %jit3A_165 = arith.constant 0.000000e+00 : f32
    %broadcast_in_dim3A_166 = vector.broadcast %jit3A_164 : f32 to vector<32x64xf32>
    %broadcast_in_dim3A_167 = vector.broadcast %jit3A_165 : f32 to vector<32x64xf32>
    %select_n3A_168 = arith.select %and3A_163, %broadcast_in_dim3A_166, %broadcast_in_dim3A_167 : vector<32x64xi1>, vector<32x64xf32>
    %reduce_sum3A_169 = arith.constant dense<0.000000e+00> : vector<32xf32>
    %reduce_sum3A_170 = vector.multi_reduction <add>, %select_n3A_168, %reduce_sum3A_169 [1] : vector<32x64xf32> to vector<32xf32>
    %get3A_171 = arith.constant 5 : index
    %get3A_172 = memref.load %arg4[%get3A_171] : memref<16xf32, #tpu.memory_space<smem>>
    %get3A_173 = arith.constant 6 : index
    %get3A_174 = memref.load %arg4[%get3A_173] : memref<16xf32, #tpu.memory_space<smem>>
    %lt3A_175 = vector.broadcast %get3A_172 : f32 to vector<32x64xf32>
    %lt3A_176 = arith.cmpf olt, %lt3A_175, %get3A_25 : vector<32x64xf32>
    %lt3A_177 = vector.broadcast %get3A_174 : f32 to vector<32x64xf32>
    %lt3A_178 = arith.cmpf olt, %get3A_25, %lt3A_177 : vector<32x64xf32>
    %and3A_179 = arith.andi %lt3A_176, %lt3A_178 : vector<32x64xi1>
    %jit3A_180 = arith.constant 1.000000e+00 : f32
    %jit3A_181 = arith.constant 0.000000e+00 : f32
    %broadcast_in_dim3A_182 = vector.broadcast %jit3A_180 : f32 to vector<32x64xf32>
    %broadcast_in_dim3A_183 = vector.broadcast %jit3A_181 : f32 to vector<32x64xf32>
    %select_n3A_184 = arith.select %and3A_179, %broadcast_in_dim3A_182, %broadcast_in_dim3A_183 : vector<32x64xi1>, vector<32x64xf32>
    %reduce_sum3A_185 = arith.constant dense<0.000000e+00> : vector<32xf32>
    %reduce_sum3A_186 = vector.multi_reduction <add>, %select_n3A_184, %reduce_sum3A_185 [1] : vector<32x64xf32> to vector<32xf32>
    %jit3A_187 = arith.constant 0.000000e+00 : f32
    %broadcast_in_dim3A_188 = vector.broadcast %jit3A_187 : f32 to vector<32x64xf32>
    %select_n3A_189 = arith.select %and3A_179, %get3A_25, %broadcast_in_dim3A_188 : vector<32x64xi1>, vector<32x64xf32>
    %reduce_sum3A_190 = arith.constant dense<0.000000e+00> : vector<32xf32>
    %reduce_sum3A_191 = vector.multi_reduction <add>, %select_n3A_189, %reduce_sum3A_190 [1] : vector<32x64xf32> to vector<32xf32>
    %and3A_192 = arith.andi %and3A_179, %eq3A_29 : vector<32x64xi1>
    %jit3A_193 = arith.constant 1.000000e+00 : f32
    %jit3A_194 = arith.constant 0.000000e+00 : f32
    %broadcast_in_dim3A_195 = vector.broadcast %jit3A_193 : f32 to vector<32x64xf32>
    %broadcast_in_dim3A_196 = vector.broadcast %jit3A_194 : f32 to vector<32x64xf32>
    %select_n3A_197 = arith.select %and3A_192, %broadcast_in_dim3A_195, %broadcast_in_dim3A_196 : vector<32x64xi1>, vector<32x64xf32>
    %reduce_sum3A_198 = arith.constant dense<0.000000e+00> : vector<32xf32>
    %reduce_sum3A_199 = vector.multi_reduction <add>, %select_n3A_197, %reduce_sum3A_198 [1] : vector<32x64xf32> to vector<32xf32>
    %get3A_200 = arith.constant 6 : index
    %get3A_201 = memref.load %arg4[%get3A_200] : memref<16xf32, #tpu.memory_space<smem>>
    %get3A_202 = arith.constant 7 : index
    %get3A_203 = memref.load %arg4[%get3A_202] : memref<16xf32, #tpu.memory_space<smem>>
    %lt3A_204 = vector.broadcast %get3A_201 : f32 to vector<32x64xf32>
    %lt3A_205 = arith.cmpf olt, %lt3A_204, %get3A_25 : vector<32x64xf32>
    %lt3A_206 = vector.broadcast %get3A_203 : f32 to vector<32x64xf32>
    %lt3A_207 = arith.cmpf olt, %get3A_25, %lt3A_206 : vector<32x64xf32>
    %and3A_208 = arith.andi %lt3A_205, %lt3A_207 : vector<32x64xi1>
    %jit3A_209 = arith.constant 1.000000e+00 : f32
    %jit3A_210 = arith.constant 0.000000e+00 : f32
    %broadcast_in_dim3A_211 = vector.broadcast %jit3A_209 : f32 to vector<32x64xf32>
    %broadcast_in_dim3A_212 = vector.broadcast %jit3A_210 : f32 to vector<32x64xf32>
    %select_n3A_213 = arith.select %and3A_208, %broadcast_in_dim3A_211, %broadcast_in_dim3A_212 : vector<32x64xi1>, vector<32x64xf32>
    %reduce_sum3A_214 = arith.constant dense<0.000000e+00> : vector<32xf32>
    %reduce_sum3A_215 = vector.multi_reduction <add>, %select_n3A_213, %reduce_sum3A_214 [1] : vector<32x64xf32> to vector<32xf32>
    %jit3A_216 = arith.constant 0.000000e+00 : f32
    %broadcast_in_dim3A_217 = vector.broadcast %jit3A_216 : f32 to vector<32x64xf32>
    %select_n3A_218 = arith.select %and3A_208, %get3A_25, %broadcast_in_dim3A_217 : vector<32x64xi1>, vector<32x64xf32>
    %reduce_sum3A_219 = arith.constant dense<0.000000e+00> : vector<32xf32>
    %reduce_sum3A_220 = vector.multi_reduction <add>, %select_n3A_218, %reduce_sum3A_219 [1] : vector<32x64xf32> to vector<32xf32>
    %and3A_221 = arith.andi %and3A_208, %eq3A_29 : vector<32x64xi1>
    %jit3A_222 = arith.constant 1.000000e+00 : f32
    %jit3A_223 = arith.constant 0.000000e+00 : f32
    %broadcast_in_dim3A_224 = vector.broadcast %jit3A_222 : f32 to vector<32x64xf32>
    %broadcast_in_dim3A_225 = vector.broadcast %jit3A_223 : f32 to vector<32x64xf32>
    %select_n3A_226 = arith.select %and3A_221, %broadcast_in_dim3A_224, %broadcast_in_dim3A_225 : vector<32x64xi1>, vector<32x64xf32>
    %reduce_sum3A_227 = arith.constant dense<0.000000e+00> : vector<32xf32>
    %reduce_sum3A_228 = vector.multi_reduction <add>, %select_n3A_226, %reduce_sum3A_227 [1] : vector<32x64xf32> to vector<32xf32>
    %get3A_229 = arith.constant 7 : index
    %get3A_230 = memref.load %arg4[%get3A_229] : memref<16xf32, #tpu.memory_space<smem>>
    %get3A_231 = arith.constant 8 : index
    %get3A_232 = memref.load %arg4[%get3A_231] : memref<16xf32, #tpu.memory_space<smem>>
    %lt3A_233 = vector.broadcast %get3A_230 : f32 to vector<32x64xf32>
    %lt3A_234 = arith.cmpf olt, %lt3A_233, %get3A_25 : vector<32x64xf32>
    %lt3A_235 = vector.broadcast %get3A_232 : f32 to vector<32x64xf32>
    %lt3A_236 = arith.cmpf olt, %get3A_25, %lt3A_235 : vector<32x64xf32>
    %and3A_237 = arith.andi %lt3A_234, %lt3A_236 : vector<32x64xi1>
    %jit3A_238 = arith.constant 1.000000e+00 : f32
    %jit3A_239 = arith.constant 0.000000e+00 : f32
    %broadcast_in_dim3A_240 = vector.broadcast %jit3A_238 : f32 to vector<32x64xf32>
    %broadcast_in_dim3A_241 = vector.broadcast %jit3A_239 : f32 to vector<32x64xf32>
    %select_n3A_242 = arith.select %and3A_237, %broadcast_in_dim3A_240, %broadcast_in_dim3A_241 : vector<32x64xi1>, vector<32x64xf32>
    %reduce_sum3A_243 = arith.constant dense<0.000000e+00> : vector<32xf32>
    %reduce_sum3A_244 = vector.multi_reduction <add>, %select_n3A_242, %reduce_sum3A_243 [1] : vector<32x64xf32> to vector<32xf32>
    %jit3A_245 = arith.constant 0.000000e+00 : f32
    %broadcast_in_dim3A_246 = vector.broadcast %jit3A_245 : f32 to vector<32x64xf32>
    %select_n3A_247 = arith.select %and3A_237, %get3A_25, %broadcast_in_dim3A_246 : vector<32x64xi1>, vector<32x64xf32>
    %reduce_sum3A_248 = arith.constant dense<0.000000e+00> : vector<32xf32>
    %reduce_sum3A_249 = vector.multi_reduction <add>, %select_n3A_247, %reduce_sum3A_248 [1] : vector<32x64xf32> to vector<32xf32>
    %and3A_250 = arith.andi %and3A_237, %eq3A_29 : vector<32x64xi1>
    %jit3A_251 = arith.constant 1.000000e+00 : f32
    %jit3A_252 = arith.constant 0.000000e+00 : f32
    %broadcast_in_dim3A_253 = vector.broadcast %jit3A_251 : f32 to vector<32x64xf32>
    %broadcast_in_dim3A_254 = vector.broadcast %jit3A_252 : f32 to vector<32x64xf32>
    %select_n3A_255 = arith.select %and3A_250, %broadcast_in_dim3A_253, %broadcast_in_dim3A_254 : vector<32x64xi1>, vector<32x64xf32>
    %reduce_sum3A_256 = arith.constant dense<0.000000e+00> : vector<32xf32>
    %reduce_sum3A_257 = vector.multi_reduction <add>, %select_n3A_255, %reduce_sum3A_256 [1] : vector<32x64xf32> to vector<32xf32>
    %get3A_258 = arith.constant 8 : index
    %get3A_259 = memref.load %arg4[%get3A_258] : memref<16xf32, #tpu.memory_space<smem>>
    %get3A_260 = arith.constant 9 : index
    %get3A_261 = memref.load %arg4[%get3A_260] : memref<16xf32, #tpu.memory_space<smem>>
    %lt3A_262 = vector.broadcast %get3A_259 : f32 to vector<32x64xf32>
    %lt3A_263 = arith.cmpf olt, %lt3A_262, %get3A_25 : vector<32x64xf32>
    %lt3A_264 = vector.broadcast %get3A_261 : f32 to vector<32x64xf32>
    %lt3A_265 = arith.cmpf olt, %get3A_25, %lt3A_264 : vector<32x64xf32>
    %and3A_266 = arith.andi %lt3A_263, %lt3A_265 : vector<32x64xi1>
    %jit3A_267 = arith.constant 1.000000e+00 : f32
    %jit3A_268 = arith.constant 0.000000e+00 : f32
    %broadcast_in_dim3A_269 = vector.broadcast %jit3A_267 : f32 to vector<32x64xf32>
    %broadcast_in_dim3A_270 = vector.broadcast %jit3A_268 : f32 to vector<32x64xf32>
    %select_n3A_271 = arith.select %and3A_266, %broadcast_in_dim3A_269, %broadcast_in_dim3A_270 : vector<32x64xi1>, vector<32x64xf32>
    %reduce_sum3A_272 = arith.constant dense<0.000000e+00> : vector<32xf32>
    %reduce_sum3A_273 = vector.multi_reduction <add>, %select_n3A_271, %reduce_sum3A_272 [1] : vector<32x64xf32> to vector<32xf32>
    %jit3A_274 = arith.constant 0.000000e+00 : f32
    %broadcast_in_dim3A_275 = vector.broadcast %jit3A_274 : f32 to vector<32x64xf32>
    %select_n3A_276 = arith.select %and3A_266, %get3A_25, %broadcast_in_dim3A_275 : vector<32x64xi1>, vector<32x64xf32>
    %reduce_sum3A_277 = arith.constant dense<0.000000e+00> : vector<32xf32>
    %reduce_sum3A_278 = vector.multi_reduction <add>, %select_n3A_276, %reduce_sum3A_277 [1] : vector<32x64xf32> to vector<32xf32>
    %and3A_279 = arith.andi %and3A_266, %eq3A_29 : vector<32x64xi1>
    %jit3A_280 = arith.constant 1.000000e+00 : f32
    %jit3A_281 = arith.constant 0.000000e+00 : f32
    %broadcast_in_dim3A_282 = vector.broadcast %jit3A_280 : f32 to vector<32x64xf32>
    %broadcast_in_dim3A_283 = vector.broadcast %jit3A_281 : f32 to vector<32x64xf32>
    %select_n3A_284 = arith.select %and3A_279, %broadcast_in_dim3A_282, %broadcast_in_dim3A_283 : vector<32x64xi1>, vector<32x64xf32>
    %reduce_sum3A_285 = arith.constant dense<0.000000e+00> : vector<32xf32>
    %reduce_sum3A_286 = vector.multi_reduction <add>, %select_n3A_284, %reduce_sum3A_285 [1] : vector<32x64xf32> to vector<32xf32>
    %get3A_287 = arith.constant 9 : index
    %get3A_288 = memref.load %arg4[%get3A_287] : memref<16xf32, #tpu.memory_space<smem>>
    %get3A_289 = arith.constant 10 : index
    %get3A_290 = memref.load %arg4[%get3A_289] : memref<16xf32, #tpu.memory_space<smem>>
    %lt3A_291 = vector.broadcast %get3A_288 : f32 to vector<32x64xf32>
    %lt3A_292 = arith.cmpf olt, %lt3A_291, %get3A_25 : vector<32x64xf32>
    %lt3A_293 = vector.broadcast %get3A_290 : f32 to vector<32x64xf32>
    %lt3A_294 = arith.cmpf olt, %get3A_25, %lt3A_293 : vector<32x64xf32>
    %and3A_295 = arith.andi %lt3A_292, %lt3A_294 : vector<32x64xi1>
    %jit3A_296 = arith.constant 1.000000e+00 : f32
    %jit3A_297 = arith.constant 0.000000e+00 : f32
    %broadcast_in_dim3A_298 = vector.broadcast %jit3A_296 : f32 to vector<32x64xf32>
    %broadcast_in_dim3A_299 = vector.broadcast %jit3A_297 : f32 to vector<32x64xf32>
    %select_n3A_300 = arith.select %and3A_295, %broadcast_in_dim3A_298, %broadcast_in_dim3A_299 : vector<32x64xi1>, vector<32x64xf32>
    %reduce_sum3A_301 = arith.constant dense<0.000000e+00> : vector<32xf32>
    %reduce_sum3A_302 = vector.multi_reduction <add>, %select_n3A_300, %reduce_sum3A_301 [1] : vector<32x64xf32> to vector<32xf32>
    %jit3A_303 = arith.constant 0.000000e+00 : f32
    %broadcast_in_dim3A_304 = vector.broadcast %jit3A_303 : f32 to vector<32x64xf32>
    %select_n3A_305 = arith.select %and3A_295, %get3A_25, %broadcast_in_dim3A_304 : vector<32x64xi1>, vector<32x64xf32>
    %reduce_sum3A_306 = arith.constant dense<0.000000e+00> : vector<32xf32>
    %reduce_sum3A_307 = vector.multi_reduction <add>, %select_n3A_305, %reduce_sum3A_306 [1] : vector<32x64xf32> to vector<32xf32>
    %and3A_308 = arith.andi %and3A_295, %eq3A_29 : vector<32x64xi1>
    %jit3A_309 = arith.constant 1.000000e+00 : f32
    %jit3A_310 = arith.constant 0.000000e+00 : f32
    %broadcast_in_dim3A_311 = vector.broadcast %jit3A_309 : f32 to vector<32x64xf32>
    %broadcast_in_dim3A_312 = vector.broadcast %jit3A_310 : f32 to vector<32x64xf32>
    %select_n3A_313 = arith.select %and3A_308, %broadcast_in_dim3A_311, %broadcast_in_dim3A_312 : vector<32x64xi1>, vector<32x64xf32>
    %reduce_sum3A_314 = arith.constant dense<0.000000e+00> : vector<32xf32>
    %reduce_sum3A_315 = vector.multi_reduction <add>, %select_n3A_313, %reduce_sum3A_314 [1] : vector<32x64xf32> to vector<32xf32>
    %get3A_316 = arith.constant 10 : index
    %get3A_317 = memref.load %arg4[%get3A_316] : memref<16xf32, #tpu.memory_space<smem>>
    %get3A_318 = arith.constant 11 : index
    %get3A_319 = memref.load %arg4[%get3A_318] : memref<16xf32, #tpu.memory_space<smem>>
    %lt3A_320 = vector.broadcast %get3A_317 : f32 to vector<32x64xf32>
    %lt3A_321 = arith.cmpf olt, %lt3A_320, %get3A_25 : vector<32x64xf32>
    %lt3A_322 = vector.broadcast %get3A_319 : f32 to vector<32x64xf32>
    %lt3A_323 = arith.cmpf olt, %get3A_25, %lt3A_322 : vector<32x64xf32>
    %and3A_324 = arith.andi %lt3A_321, %lt3A_323 : vector<32x64xi1>
    %jit3A_325 = arith.constant 1.000000e+00 : f32
    %jit3A_326 = arith.constant 0.000000e+00 : f32
    %broadcast_in_dim3A_327 = vector.broadcast %jit3A_325 : f32 to vector<32x64xf32>
    %broadcast_in_dim3A_328 = vector.broadcast %jit3A_326 : f32 to vector<32x64xf32>
    %select_n3A_329 = arith.select %and3A_324, %broadcast_in_dim3A_327, %broadcast_in_dim3A_328 : vector<32x64xi1>, vector<32x64xf32>
    %reduce_sum3A_330 = arith.constant dense<0.000000e+00> : vector<32xf32>
    %reduce_sum3A_331 = vector.multi_reduction <add>, %select_n3A_329, %reduce_sum3A_330 [1] : vector<32x64xf32> to vector<32xf32>
    %jit3A_332 = arith.constant 0.000000e+00 : f32
    %broadcast_in_dim3A_333 = vector.broadcast %jit3A_332 : f32 to vector<32x64xf32>
    %select_n3A_334 = arith.select %and3A_324, %get3A_25, %broadcast_in_dim3A_333 : vector<32x64xi1>, vector<32x64xf32>
    %reduce_sum3A_335 = arith.constant dense<0.000000e+00> : vector<32xf32>
    %reduce_sum3A_336 = vector.multi_reduction <add>, %select_n3A_334, %reduce_sum3A_335 [1] : vector<32x64xf32> to vector<32xf32>
    %and3A_337 = arith.andi %and3A_324, %eq3A_29 : vector<32x64xi1>
    %jit3A_338 = arith.constant 1.000000e+00 : f32
    %jit3A_339 = arith.constant 0.000000e+00 : f32
    %broadcast_in_dim3A_340 = vector.broadcast %jit3A_338 : f32 to vector<32x64xf32>
    %broadcast_in_dim3A_341 = vector.broadcast %jit3A_339 : f32 to vector<32x64xf32>
    %select_n3A_342 = arith.select %and3A_337, %broadcast_in_dim3A_340, %broadcast_in_dim3A_341 : vector<32x64xi1>, vector<32x64xf32>
    %reduce_sum3A_343 = arith.constant dense<0.000000e+00> : vector<32xf32>
    %reduce_sum3A_344 = vector.multi_reduction <add>, %select_n3A_342, %reduce_sum3A_343 [1] : vector<32x64xf32> to vector<32xf32>
    %get3A_345 = arith.constant 11 : index
    %get3A_346 = memref.load %arg4[%get3A_345] : memref<16xf32, #tpu.memory_space<smem>>
    %get3A_347 = arith.constant 12 : index
    %get3A_348 = memref.load %arg4[%get3A_347] : memref<16xf32, #tpu.memory_space<smem>>
    %lt3A_349 = vector.broadcast %get3A_346 : f32 to vector<32x64xf32>
    %lt3A_350 = arith.cmpf olt, %lt3A_349, %get3A_25 : vector<32x64xf32>
    %lt3A_351 = vector.broadcast %get3A_348 : f32 to vector<32x64xf32>
    %lt3A_352 = arith.cmpf olt, %get3A_25, %lt3A_351 : vector<32x64xf32>
    %and3A_353 = arith.andi %lt3A_350, %lt3A_352 : vector<32x64xi1>
    %jit3A_354 = arith.constant 1.000000e+00 : f32
    %jit3A_355 = arith.constant 0.000000e+00 : f32
    %broadcast_in_dim3A_356 = vector.broadcast %jit3A_354 : f32 to vector<32x64xf32>
    %broadcast_in_dim3A_357 = vector.broadcast %jit3A_355 : f32 to vector<32x64xf32>
    %select_n3A_358 = arith.select %and3A_353, %broadcast_in_dim3A_356, %broadcast_in_dim3A_357 : vector<32x64xi1>, vector<32x64xf32>
    %reduce_sum3A_359 = arith.constant dense<0.000000e+00> : vector<32xf32>
    %reduce_sum3A_360 = vector.multi_reduction <add>, %select_n3A_358, %reduce_sum3A_359 [1] : vector<32x64xf32> to vector<32xf32>
    %jit3A_361 = arith.constant 0.000000e+00 : f32
    %broadcast_in_dim3A_362 = vector.broadcast %jit3A_361 : f32 to vector<32x64xf32>
    %select_n3A_363 = arith.select %and3A_353, %get3A_25, %broadcast_in_dim3A_362 : vector<32x64xi1>, vector<32x64xf32>
    %reduce_sum3A_364 = arith.constant dense<0.000000e+00> : vector<32xf32>
    %reduce_sum3A_365 = vector.multi_reduction <add>, %select_n3A_363, %reduce_sum3A_364 [1] : vector<32x64xf32> to vector<32xf32>
    %and3A_366 = arith.andi %and3A_353, %eq3A_29 : vector<32x64xi1>
    %jit3A_367 = arith.constant 1.000000e+00 : f32
    %jit3A_368 = arith.constant 0.000000e+00 : f32
    %broadcast_in_dim3A_369 = vector.broadcast %jit3A_367 : f32 to vector<32x64xf32>
    %broadcast_in_dim3A_370 = vector.broadcast %jit3A_368 : f32 to vector<32x64xf32>
    %select_n3A_371 = arith.select %and3A_366, %broadcast_in_dim3A_369, %broadcast_in_dim3A_370 : vector<32x64xi1>, vector<32x64xf32>
    %reduce_sum3A_372 = arith.constant dense<0.000000e+00> : vector<32xf32>
    %reduce_sum3A_373 = vector.multi_reduction <add>, %select_n3A_371, %reduce_sum3A_372 [1] : vector<32x64xf32> to vector<32xf32>
    %get3A_374 = arith.constant 12 : index
    %get3A_375 = memref.load %arg4[%get3A_374] : memref<16xf32, #tpu.memory_space<smem>>
    %get3A_376 = arith.constant 13 : index
    %get3A_377 = memref.load %arg4[%get3A_376] : memref<16xf32, #tpu.memory_space<smem>>
    %lt3A_378 = vector.broadcast %get3A_375 : f32 to vector<32x64xf32>
    %lt3A_379 = arith.cmpf olt, %lt3A_378, %get3A_25 : vector<32x64xf32>
    %lt3A_380 = vector.broadcast %get3A_377 : f32 to vector<32x64xf32>
    %lt3A_381 = arith.cmpf olt, %get3A_25, %lt3A_380 : vector<32x64xf32>
    %and3A_382 = arith.andi %lt3A_379, %lt3A_381 : vector<32x64xi1>
    %jit3A_383 = arith.constant 1.000000e+00 : f32
    %jit3A_384 = arith.constant 0.000000e+00 : f32
    %broadcast_in_dim3A_385 = vector.broadcast %jit3A_383 : f32 to vector<32x64xf32>
    %broadcast_in_dim3A_386 = vector.broadcast %jit3A_384 : f32 to vector<32x64xf32>
    %select_n3A_387 = arith.select %and3A_382, %broadcast_in_dim3A_385, %broadcast_in_dim3A_386 : vector<32x64xi1>, vector<32x64xf32>
    %reduce_sum3A_388 = arith.constant dense<0.000000e+00> : vector<32xf32>
    %reduce_sum3A_389 = vector.multi_reduction <add>, %select_n3A_387, %reduce_sum3A_388 [1] : vector<32x64xf32> to vector<32xf32>
    %jit3A_390 = arith.constant 0.000000e+00 : f32
    %broadcast_in_dim3A_391 = vector.broadcast %jit3A_390 : f32 to vector<32x64xf32>
    %select_n3A_392 = arith.select %and3A_382, %get3A_25, %broadcast_in_dim3A_391 : vector<32x64xi1>, vector<32x64xf32>
    %reduce_sum3A_393 = arith.constant dense<0.000000e+00> : vector<32xf32>
    %reduce_sum3A_394 = vector.multi_reduction <add>, %select_n3A_392, %reduce_sum3A_393 [1] : vector<32x64xf32> to vector<32xf32>
    %and3A_395 = arith.andi %and3A_382, %eq3A_29 : vector<32x64xi1>
    %jit3A_396 = arith.constant 1.000000e+00 : f32
    %jit3A_397 = arith.constant 0.000000e+00 : f32
    %broadcast_in_dim3A_398 = vector.broadcast %jit3A_396 : f32 to vector<32x64xf32>
    %broadcast_in_dim3A_399 = vector.broadcast %jit3A_397 : f32 to vector<32x64xf32>
    %select_n3A_400 = arith.select %and3A_395, %broadcast_in_dim3A_398, %broadcast_in_dim3A_399 : vector<32x64xi1>, vector<32x64xf32>
    %reduce_sum3A_401 = arith.constant dense<0.000000e+00> : vector<32xf32>
    %reduce_sum3A_402 = vector.multi_reduction <add>, %select_n3A_400, %reduce_sum3A_401 [1] : vector<32x64xf32> to vector<32xf32>
    %get3A_403 = arith.constant 13 : index
    %get3A_404 = memref.load %arg4[%get3A_403] : memref<16xf32, #tpu.memory_space<smem>>
    %get3A_405 = arith.constant 14 : index
    %get3A_406 = memref.load %arg4[%get3A_405] : memref<16xf32, #tpu.memory_space<smem>>
    %lt3A_407 = vector.broadcast %get3A_404 : f32 to vector<32x64xf32>
    %lt3A_408 = arith.cmpf olt, %lt3A_407, %get3A_25 : vector<32x64xf32>
    %lt3A_409 = vector.broadcast %get3A_406 : f32 to vector<32x64xf32>
    %lt3A_410 = arith.cmpf olt, %get3A_25, %lt3A_409 : vector<32x64xf32>
    %and3A_411 = arith.andi %lt3A_408, %lt3A_410 : vector<32x64xi1>
    %jit3A_412 = arith.constant 1.000000e+00 : f32
    %jit3A_413 = arith.constant 0.000000e+00 : f32
    %broadcast_in_dim3A_414 = vector.broadcast %jit3A_412 : f32 to vector<32x64xf32>
    %broadcast_in_dim3A_415 = vector.broadcast %jit3A_413 : f32 to vector<32x64xf32>
    %select_n3A_416 = arith.select %and3A_411, %broadcast_in_dim3A_414, %broadcast_in_dim3A_415 : vector<32x64xi1>, vector<32x64xf32>
    %reduce_sum3A_417 = arith.constant dense<0.000000e+00> : vector<32xf32>
    %reduce_sum3A_418 = vector.multi_reduction <add>, %select_n3A_416, %reduce_sum3A_417 [1] : vector<32x64xf32> to vector<32xf32>
    %jit3A_419 = arith.constant 0.000000e+00 : f32
    %broadcast_in_dim3A_420 = vector.broadcast %jit3A_419 : f32 to vector<32x64xf32>
    %select_n3A_421 = arith.select %and3A_411, %get3A_25, %broadcast_in_dim3A_420 : vector<32x64xi1>, vector<32x64xf32>
    %reduce_sum3A_422 = arith.constant dense<0.000000e+00> : vector<32xf32>
    %reduce_sum3A_423 = vector.multi_reduction <add>, %select_n3A_421, %reduce_sum3A_422 [1] : vector<32x64xf32> to vector<32xf32>
    %and3A_424 = arith.andi %and3A_411, %eq3A_29 : vector<32x64xi1>
    %jit3A_425 = arith.constant 1.000000e+00 : f32
    %jit3A_426 = arith.constant 0.000000e+00 : f32
    %broadcast_in_dim3A_427 = vector.broadcast %jit3A_425 : f32 to vector<32x64xf32>
    %broadcast_in_dim3A_428 = vector.broadcast %jit3A_426 : f32 to vector<32x64xf32>
    %select_n3A_429 = arith.select %and3A_424, %broadcast_in_dim3A_427, %broadcast_in_dim3A_428 : vector<32x64xi1>, vector<32x64xf32>
    %reduce_sum3A_430 = arith.constant dense<0.000000e+00> : vector<32xf32>
    %reduce_sum3A_431 = vector.multi_reduction <add>, %select_n3A_429, %reduce_sum3A_430 [1] : vector<32x64xf32> to vector<32xf32>
    %get3A_432 = arith.constant 14 : index
    %get3A_433 = memref.load %arg4[%get3A_432] : memref<16xf32, #tpu.memory_space<smem>>
    %get3A_434 = arith.constant 15 : index
    %get3A_435 = memref.load %arg4[%get3A_434] : memref<16xf32, #tpu.memory_space<smem>>
    %lt3A_436 = vector.broadcast %get3A_433 : f32 to vector<32x64xf32>
    %lt3A_437 = arith.cmpf olt, %lt3A_436, %get3A_25 : vector<32x64xf32>
    %lt3A_438 = vector.broadcast %get3A_435 : f32 to vector<32x64xf32>
    %lt3A_439 = arith.cmpf olt, %get3A_25, %lt3A_438 : vector<32x64xf32>
    %and3A_440 = arith.andi %lt3A_437, %lt3A_439 : vector<32x64xi1>
    %jit3A_441 = arith.constant 1.000000e+00 : f32
    %jit3A_442 = arith.constant 0.000000e+00 : f32
    %broadcast_in_dim3A_443 = vector.broadcast %jit3A_441 : f32 to vector<32x64xf32>
    %broadcast_in_dim3A_444 = vector.broadcast %jit3A_442 : f32 to vector<32x64xf32>
    %select_n3A_445 = arith.select %and3A_440, %broadcast_in_dim3A_443, %broadcast_in_dim3A_444 : vector<32x64xi1>, vector<32x64xf32>
    %reduce_sum3A_446 = arith.constant dense<0.000000e+00> : vector<32xf32>
    %reduce_sum3A_447 = vector.multi_reduction <add>, %select_n3A_445, %reduce_sum3A_446 [1] : vector<32x64xf32> to vector<32xf32>
    %jit3A_448 = arith.constant 0.000000e+00 : f32
    %broadcast_in_dim3A_449 = vector.broadcast %jit3A_448 : f32 to vector<32x64xf32>
    %select_n3A_450 = arith.select %and3A_440, %get3A_25, %broadcast_in_dim3A_449 : vector<32x64xi1>, vector<32x64xf32>
    %reduce_sum3A_451 = arith.constant dense<0.000000e+00> : vector<32xf32>
    %reduce_sum3A_452 = vector.multi_reduction <add>, %select_n3A_450, %reduce_sum3A_451 [1] : vector<32x64xf32> to vector<32xf32>
    %and3A_453 = arith.andi %and3A_440, %eq3A_29 : vector<32x64xi1>
    %jit3A_454 = arith.constant 1.000000e+00 : f32
    %jit3A_455 = arith.constant 0.000000e+00 : f32
    %broadcast_in_dim3A_456 = vector.broadcast %jit3A_454 : f32 to vector<32x64xf32>
    %broadcast_in_dim3A_457 = vector.broadcast %jit3A_455 : f32 to vector<32x64xf32>
    %select_n3A_458 = arith.select %and3A_453, %broadcast_in_dim3A_456, %broadcast_in_dim3A_457 : vector<32x64xi1>, vector<32x64xf32>
    %reduce_sum3A_459 = arith.constant dense<0.000000e+00> : vector<32xf32>
    %reduce_sum3A_460 = vector.multi_reduction <add>, %select_n3A_458, %reduce_sum3A_459 [1] : vector<32x64xf32> to vector<32xf32>
    %stack3A = vector.shape_cast %reduce_sum3A_41 : vector<32xf32> to vector<1x32xf32>
    %stack3A_461 = vector.shape_cast %reduce_sum3A_70 : vector<32xf32> to vector<1x32xf32>
    %stack3A_462 = vector.shape_cast %reduce_sum3A_99 : vector<32xf32> to vector<1x32xf32>
    %stack3A_463 = vector.shape_cast %reduce_sum3A_128 : vector<32xf32> to vector<1x32xf32>
    %stack3A_464 = vector.shape_cast %reduce_sum3A_157 : vector<32xf32> to vector<1x32xf32>
    %stack3A_465 = vector.shape_cast %reduce_sum3A_186 : vector<32xf32> to vector<1x32xf32>
    %stack3A_466 = vector.shape_cast %reduce_sum3A_215 : vector<32xf32> to vector<1x32xf32>
    %stack3A_467 = vector.shape_cast %reduce_sum3A_244 : vector<32xf32> to vector<1x32xf32>
    %stack3A_468 = vector.shape_cast %reduce_sum3A_273 : vector<32xf32> to vector<1x32xf32>
    %stack3A_469 = vector.shape_cast %reduce_sum3A_302 : vector<32xf32> to vector<1x32xf32>
    %stack3A_470 = vector.shape_cast %reduce_sum3A_331 : vector<32xf32> to vector<1x32xf32>
    %stack3A_471 = vector.shape_cast %reduce_sum3A_360 : vector<32xf32> to vector<1x32xf32>
    %stack3A_472 = vector.shape_cast %reduce_sum3A_389 : vector<32xf32> to vector<1x32xf32>
    %stack3A_473 = vector.shape_cast %reduce_sum3A_418 : vector<32xf32> to vector<1x32xf32>
    %stack3A_474 = vector.shape_cast %reduce_sum3A_447 : vector<32xf32> to vector<1x32xf32>
    %stack3A_475 = tpu.concatenate %stack3A, %stack3A_461, %stack3A_462, %stack3A_463, %stack3A_464, %stack3A_465, %stack3A_466, %stack3A_467, %stack3A_468, %stack3A_469, %stack3A_470, %stack3A_471, %stack3A_472, %stack3A_473, %stack3A_474 in 0 : vector<1x32xf32>, vector<1x32xf32>, vector<1x32xf32>, vector<1x32xf32>, vector<1x32xf32>, vector<1x32xf32>, vector<1x32xf32>, vector<1x32xf32>, vector<1x32xf32>, vector<1x32xf32>, vector<1x32xf32>, vector<1x32xf32>, vector<1x32xf32>, vector<1x32xf32>, vector<1x32xf32> -> vector<15x32xf32>
    %add3A = arith.addf %reduce_sum3A_8, %stack3A_475 : vector<15x32xf32>
    %stack3A_476 = vector.shape_cast %reduce_sum3A_46 : vector<32xf32> to vector<1x32xf32>
    %stack3A_477 = vector.shape_cast %reduce_sum3A_75 : vector<32xf32> to vector<1x32xf32>
    %stack3A_478 = vector.shape_cast %reduce_sum3A_104 : vector<32xf32> to vector<1x32xf32>
    %stack3A_479 = vector.shape_cast %reduce_sum3A_133 : vector<32xf32> to vector<1x32xf32>
    %stack3A_480 = vector.shape_cast %reduce_sum3A_162 : vector<32xf32> to vector<1x32xf32>
    %stack3A_481 = vector.shape_cast %reduce_sum3A_191 : vector<32xf32> to vector<1x32xf32>
    %stack3A_482 = vector.shape_cast %reduce_sum3A_220 : vector<32xf32> to vector<1x32xf32>
    %stack3A_483 = vector.shape_cast %reduce_sum3A_249 : vector<32xf32> to vector<1x32xf32>
    %stack3A_484 = vector.shape_cast %reduce_sum3A_278 : vector<32xf32> to vector<1x32xf32>
    %stack3A_485 = vector.shape_cast %reduce_sum3A_307 : vector<32xf32> to vector<1x32xf32>
    %stack3A_486 = vector.shape_cast %reduce_sum3A_336 : vector<32xf32> to vector<1x32xf32>
    %stack3A_487 = vector.shape_cast %reduce_sum3A_365 : vector<32xf32> to vector<1x32xf32>
    %stack3A_488 = vector.shape_cast %reduce_sum3A_394 : vector<32xf32> to vector<1x32xf32>
    %stack3A_489 = vector.shape_cast %reduce_sum3A_423 : vector<32xf32> to vector<1x32xf32>
    %stack3A_490 = vector.shape_cast %reduce_sum3A_452 : vector<32xf32> to vector<1x32xf32>
    %stack3A_491 = tpu.concatenate %stack3A_476, %stack3A_477, %stack3A_478, %stack3A_479, %stack3A_480, %stack3A_481, %stack3A_482, %stack3A_483, %stack3A_484, %stack3A_485, %stack3A_486, %stack3A_487, %stack3A_488, %stack3A_489, %stack3A_490 in 0 : vector<1x32xf32>, vector<1x32xf32>, vector<1x32xf32>, vector<1x32xf32>, vector<1x32xf32>, vector<1x32xf32>, vector<1x32xf32>, vector<1x32xf32>, vector<1x32xf32>, vector<1x32xf32>, vector<1x32xf32>, vector<1x32xf32>, vector<1x32xf32>, vector<1x32xf32>, vector<1x32xf32> -> vector<15x32xf32>
    %add3A_492 = arith.addf %reduce_sum3A_22, %stack3A_491 : vector<15x32xf32>
    %stack3A_493 = vector.shape_cast %reduce_sum3A_54 : vector<32xf32> to vector<1x32xf32>
    %stack3A_494 = vector.shape_cast %reduce_sum3A_83 : vector<32xf32> to vector<1x32xf32>
    %stack3A_495 = vector.shape_cast %reduce_sum3A_112 : vector<32xf32> to vector<1x32xf32>
    %stack3A_496 = vector.shape_cast %reduce_sum3A_141 : vector<32xf32> to vector<1x32xf32>
    %stack3A_497 = vector.shape_cast %reduce_sum3A_170 : vector<32xf32> to vector<1x32xf32>
    %stack3A_498 = vector.shape_cast %reduce_sum3A_199 : vector<32xf32> to vector<1x32xf32>
    %stack3A_499 = vector.shape_cast %reduce_sum3A_228 : vector<32xf32> to vector<1x32xf32>
    %stack3A_500 = vector.shape_cast %reduce_sum3A_257 : vector<32xf32> to vector<1x32xf32>
    %stack3A_501 = vector.shape_cast %reduce_sum3A_286 : vector<32xf32> to vector<1x32xf32>
    %stack3A_502 = vector.shape_cast %reduce_sum3A_315 : vector<32xf32> to vector<1x32xf32>
    %stack3A_503 = vector.shape_cast %reduce_sum3A_344 : vector<32xf32> to vector<1x32xf32>
    %stack3A_504 = vector.shape_cast %reduce_sum3A_373 : vector<32xf32> to vector<1x32xf32>
    %stack3A_505 = vector.shape_cast %reduce_sum3A_402 : vector<32xf32> to vector<1x32xf32>
    %stack3A_506 = vector.shape_cast %reduce_sum3A_431 : vector<32xf32> to vector<1x32xf32>
    %stack3A_507 = vector.shape_cast %reduce_sum3A_460 : vector<32xf32> to vector<1x32xf32>
    %stack3A_508 = tpu.concatenate %stack3A_493, %stack3A_494, %stack3A_495, %stack3A_496, %stack3A_497, %stack3A_498, %stack3A_499, %stack3A_500, %stack3A_501, %stack3A_502, %stack3A_503, %stack3A_504, %stack3A_505, %stack3A_506, %stack3A_507 in 0 : vector<1x32xf32>, vector<1x32xf32>, vector<1x32xf32>, vector<1x32xf32>, vector<1x32xf32>, vector<1x32xf32>, vector<1x32xf32>, vector<1x32xf32>, vector<1x32xf32>, vector<1x32xf32>, vector<1x32xf32>, vector<1x32xf32>, vector<1x32xf32>, vector<1x32xf32>, vector<1x32xf32> -> vector<15x32xf32>
    %add3A_509 = arith.addf %reduce_sum3A_13, %stack3A_508 : vector<15x32xf32>
    %reduce_sum3A_510 = arith.constant dense<0.000000e+00> : vector<32xf32>
    %reduce_sum3A_511 = vector.multi_reduction <add>, %add3A, %reduce_sum3A_510 [0] : vector<15x32xf32> to vector<32xf32>
    %broadcast_in_dim3A_512 = vector.shape_cast %reduce_sum3A_511 : vector<32xf32> to vector<1x32xf32>
    %sub3A = arith.subf %add3A_492, %add3A_509 : vector<15x32xf32>
    %gt3A = arith.constant 0.000000e+00 : f32
    %gt3A_513 = vector.broadcast %gt3A : f32 to vector<15x32xf32>
    %gt3A_514 = arith.cmpf ogt, %add3A, %gt3A_513 : vector<15x32xf32>
    %mul3A = vector.broadcast %broadcast_in_dim3A_512 : vector<1x32xf32> to vector<15x32xf32>
    %mul3A_515 = arith.mulf %add3A, %mul3A : vector<15x32xf32>
    %jit3A_516 = arith.constant 1.000000e+00 : f32
    %broadcast_in_dim3A_517 = vector.broadcast %jit3A_516 : f32 to vector<15x32xf32>
    %select_n3A_518 = arith.select %gt3A_514, %mul3A_515, %broadcast_in_dim3A_517 : vector<15x32xi1>, vector<15x32xf32>
    %mul3A_519 = arith.mulf %sub3A, %sub3A : vector<15x32xf32>
    %div3A = arith.divf %mul3A_519, %select_n3A_518 : vector<15x32xf32>
    %jit3A_520 = arith.constant 0.000000e+00 : f32
    %broadcast_in_dim3A_521 = vector.broadcast %jit3A_520 : f32 to vector<15x32xf32>
    %select_n3A_522 = arith.select %gt3A_514, %div3A, %broadcast_in_dim3A_521 : vector<15x32xi1>, vector<15x32xf32>
    %reduce_sum3A_523 = vector.shape_cast %select_n3A_522 : vector<15x32xf32> to vector<1x15x32xf32>
    %reduce_sum3A_524 = arith.constant dense<0.000000e+00> : vector<1xf32>
    %reduce_sum3A_525 = vector.multi_reduction <add>, %reduce_sum3A_523, %reduce_sum3A_524 [1, 2] : vector<1x15x32xf32> to vector<1xf32>
    %reduce_sum3A_526 = vector.shape_cast %reduce_sum3A_525 : vector<1xf32> to vector<1x1x1xf32>
    %reduce_sum3A_527 = vector.extract %reduce_sum3A_526[0, 0, 0] : f32 from vector<1x1x1xf32>
    %div3A_528 = arith.constant 3.200000e+01 : f32
    %div3A_529 = arith.divf %reduce_sum3A_527, %div3A_528 : f32
    %sqrt3A = math.sqrt %div3A_529 : f32
    %swap3A = arith.constant 0 : index
    %swap3A_530 = arith.constant 0 : index
    %swap3A_531 = memref.load %arg5[%swap3A, %swap3A_530] : memref<1x1xf32, #tpu.memory_space<smem>>
    memref.store %sqrt3A, %arg5[%swap3A, %swap3A_530] : memref<1x1xf32, #tpu.memory_space<smem>>
    return
  }
}

</mosaic_0001>

<sc_bundles>
// kernel: kernel.4.cloned.1.call-start
scs
__scs_entry_jumppad:
0x0: {  	(pc) =	sbr.rel $0x88, $3  }
0x1: {  	(tag) =	ssettag $0x0;
	lr =	simm.s32 $0x1  }
0x2: {  	[smem:$0x3F9F] =	sst lr;
	_ =	strace $0xD0000000  }
0x3: {  	_ = 	snop  }
0x4: {  	_ = 	snop  }
0x5: {  	_ = 	snop  }
0x6: {  	_ = 	snop  }
0x7: {  	_ = 	snop  }
__scs_overlays_trampoline_lowered:
0x8: {  	[smem:$0x3FAE] =	sst s0  }
0x9: {  	[smem:$0x3FAF] =	sst s1  }
0xa: {  	[smem:$0x3FB0] =	sst s2  }
0xb: {  	[smem:$0x3FB1] =	sst s3  }
0xc: {  	[smem:$0x3FB2] =	sst s4  }
0xd: {  	[smem:$0x3FB3] =	sst s5  }
0xe: {  	[smem:$0x3FB4] =	sst s6  }
0xf: {  	[smem:$0x3FB5] =	sst s7  }
0x10: {  	[smem:$0x3FB6] =	sst s8  }
0x11: {  	[smem:$0x3FB7] =	sst s9;
	s0 =	simm.s32 @!p0 $0x0  }
0x12: {  	s1 =	sld [smem:$0x3F9D];
	s0 =	simm.s32 @p0 $0x1  }
0x13: {  	[smem:$0x3FB8] =	sst s0;
	s0 =	simm.s32 @!p1 $0x0  }
0x14: {  	s2 =	sld [smem:$0x3F9C];
	s0 =	simm.s32 @p1 $0x1  }
0x15: {  	[smem:$0x3FB9] =	sst s0;
	s0 =	simm.s32 @!p2 $0x0  }
0x16: {  	s3 =	sld [smem:$0x3FDB];
	s0 =	simm.s32 @p2 $0x1  }
0x17: {  	s4 =	simm.s32 $0x1BF5;
	[smem:$0x3FBB] =	sst s0  }
0x18: {  	s0 =	sld [smem:$0x3F9E];
	_ =	swait.ge [sflag:s4], $0x0  }
0x19: {  	s7 =	sld [smem:$0x3F9F]  }
0x1a: {  	s8 =	sadd.s32 $0xFFFFE003, lr  }
0x1b: {  	s9 =	sadd.s32 $0xFFFFFEF7, lr;
	s5 =	simm.s32 $0xFFFFFFFF;
	p2 =	slt.u32 s8, $0xFFFFF086  }
0x1c: {  	p1 =	slt.u32 s9, $0xF7A;
	s5 =	simm.s32 @!p2 $0x0  }
0x1d: {  	s5 =	simm.s32 @p1 $0x1;
	p0 =	seq.s32 s7, s2  }
0x1e: {  	s7 =	smul.u32 @!p0 $0xF7A, s2;
	p2 =	seq.s32 @!p0 s5, $0x0  }
0x1f: {  	s9 =	smul.u32 $0xF7A, s1;
	s8 =	simm.s32 @!p0 $0x1BF5;
	p2 =	por !p2, p0  }
0x20: {  	[sflag:s8] =	ssyncset.s32 @!p0 $0xFFFFF086;
	s6 =	sadd.s32 @!p0 s3, s7;
	s7 =	simm.s32 @!p0 $0x108  }
0x21: {  	s3 =	sadd.s32 s3, s9;
	s6 =	sadd.s32 @!p0 $0x88, s6;
	s7 =	simm.s32 @p2 $0x1082  }
0x22: {  	[simem:s7], [sflag:s8] =	dma.local @!p0 [hbm:s6], $0xF7A  }
0x23: {  	s9 =	sor.u32 $0xD0000000, s2;
	s6 =	simm.s32 $0x108;
	_ =	swait.ge @!p0 [sflag:s8], $0x0  }
0x24: {  	s3 =	sadd.s32 $0x88, s3;
	s6 =	simm.s32 @!p1 $0x1082;
	[sflag:s4] =	ssyncset.s32 $0xFFFFF086  }
0x25: {  	[simem:s6], [sflag:s4] =	dma.local [hbm:s3], $0xF7A  }
0x26: {  	[smem:$0x3F9F] =	sst s1;
	(tag) =	ssettag s2;
	_ =	strace s9  }
0x27: {  	s1 =	sld [smem:$0x3FAF]  }
0x28: {  	s2 =	sld [smem:$0x3FB0]  }
0x29: {  	s4 =	sld [smem:$0x3FB2]  }
0x2a: {  	p0 =	seq.s32 s5, $0x0;
	s5 =	sld [smem:$0x3FB3]  }
0x2b: {  	s6 =	sld [smem:$0x3FB4]  }
0x2c: {  	s7 =	sld [smem:$0x3FB5]  }
0x2d: {  	s3 =	simm.s32 $0x108;
	s8 =	sld [smem:$0x3FB6]  }
0x2e: {  	s3 =	simm.s32 @!p0 $0x1082;
	s9 =	sld [smem:$0x3FB7]  }
0x2f: {  	lr =	sadd.s32 s0, s3;
	s0 =	sld [smem:$0x3FAE]  }
0x30: {  	s3 =	sld [smem:$0x3FB1]  }
0x31: {  	[smem:$0x3FBA] =	sst s10  }
0x32: {  	s10 =	sld [smem:$0x3FB8];
	_ =	sdelay $0x3  }
0x33: {  	p0 =	seq.s32 s10, $0x1;
	s10 =	sld [smem:$0x3FBA];
	_ =	sdelay $0x3  }
0x34: {  	[smem:$0x3FBA] =	sst s10  }
0x35: {  	s10 =	sld [smem:$0x3FB9];
	_ =	sdelay $0x3  }
0x36: {  	p1 =	seq.s32 s10, $0x1;
	s10 =	sld [smem:$0x3FBA];
	_ =	sdelay $0x3  }
0x37: {  	[smem:$0x3FBA] =	sst s10  }
0x38: {  	s10 =	sld [smem:$0x3FBB]  }
0x39: {  	_ = 	snop;
	(pc) =	sbr.ind lr, $3  }
0x3a: {  	_ = 	snop  }
0x3b: {  	_ = 	snop  }
0x3c: {  	p2 =	seq.s32 s10, $0x1;
	s10 =	sld [smem:$0x3FBA]  }
0x3d: {  	_ =	shalt  }
0x3e: {  	_ =	shalt  }
0x3f: {  	_ =	shalt  }
0x40: {  	_ =	shalt  }
0x41: {  	_ =	shalt  }
0x42: {  	_ =	shalt  }
0x43: {  	_ =	shalt  }
0x44: {  	_ =	shalt  }
0x45: {  	_ =	shalt  }
0x46: {  	_ =	shalt  }
0x47: {  	_ =	shalt  }
0x48: {  	_ =	shalt  }
0x49: {  	_ =	shalt  }
0x4a: {  	_ =	shalt  }
0x4b: {  	_ =	shalt  }
0x4c: {  	_ =	shalt  }
0x4d: {  	_ =	shalt  }
0x4e: {  	_ =	shalt  }
0x4f: {  	_ =	shalt  }
0x50: {  	_ =	shalt  }
0x51: {  	_ =	shalt  }
0x52: {  	_ =	shalt  }
0x53: {  	_ =	shalt  }
0x54: {  	_ =	shalt  }
0x55: {  	_ =	shalt  }
0x56: {  	_ =	shalt  }
0x57: {  	_ =	shalt  }
0x58: {  	_ =	shalt  }
0x59: {  	_ =	shalt  }
0x5a: {  	_ =	shalt  }
0x5b: {  	_ =	shalt  }
0x5c: {  	_ =	shalt  }
0x5d: {  	_ =	shalt  }
0x5e: {  	_ =	shalt  }
0x5f: {  	_ =	shalt  }
0x60: {  	_ =	shalt  }
0x61: {  	_ =	shalt  }
0x62: {  	_ =	shalt  }
0x63: {  	_ =	shalt  }
0x64: {  	_ =	shalt  }
0x65: {  	_ =	shalt  }
0x66: {  	_ =	shalt  }
0x67: {  	_ =	shalt  }
0x68: {  	_ =	shalt  }
0x69: {  	_ =	shalt  }
0x6a: {  	_ =	shalt  }
0x6b: {  	_ =	shalt  }
0x6c: {  	_ =	shalt  }
0x6d: {  	_ =	shalt  }
0x6e: {  	_ =	shalt  }
0x6f: {  	_ =	shalt  }
0x70: {  	_ =	shalt  }
0x71: {  	_ =	shalt  }
0x72: {  	_ =	shalt  }
0x73: {  	_ =	shalt  }
0x74: {  	_ =	shalt  }
0x75: {  	_ =	shalt  }
0x76: {  	_ =	shalt  }
0x77: {  	_ =	shalt  }
0x78: {  	_ =	shalt  }
0x79: {  	_ =	shalt  }
0x7a: {  	_ =	shalt  }
0x7b: {  	_ =	shalt  }
0x7c: {  	_ =	shalt  }
0x7d: {  	_ =	shalt  }
0x7e: {  	_ =	shalt  }
0x7f: {  	_ =	shalt  }
0x80: {  	_ =	shalt  }
0x81: {  	_ =	shalt  }
0x82: {  	_ =	shalt  }
0x83: {  	_ =	shalt  }
0x84: {  	_ =	shalt  }
0x85: {  	_ =	shalt  }
0x86: {  	_ =	shalt  }
0x87: {  	_ =	shalt  }
.Lfunc_end0:
.L_simem_size_0:
called_computation_lowered:
.L_overlay_start_0:
0x88: {  	s2 =	sld [smem:$0x3FD9]  }
0x89: {  	s3 =	sld [smem:$0x3FFE];
	_ =	sdelay $0x1  }
0x8a: {  	s1 =	srdreg.scid  }
0x8b: {  	s0 =	sand.u32 $0x1, s1  }
0x8c: {  	s17 =	sshll.u32 s0, $0xA;
	s2 =	sadd.s32 s3, s2  }
0x8d: {  	s2 =	sadd.s32 s2, s17  }
0x8e: {  	[smem:$0x3FC6] =	sst s2  }
0x8f: {  	_ = 	snop  }
0x90: {  	s2 =	sld [smem:$0x3FC9]  }
0x91: {  	s18 =	sld [smem:$0x3FC8]  }
0x92: {  	s4 =	sld [smem:$0x3FD0];
	(tm) =	ssettm $0x1  }
0x93: {  	s5 =	sld [smem:$0x3FFB];
	_ =	sdelay $0x3  }
0x94: {  	_ =	strace s5  }
0x95: {  	s5 =	sld [smem:$0x3FFC];
	_ =	sdelay $0x3  }
0x96: {  	_ =	strace s5  }
0x97: {  	s5 =	sld [smem:$0x3FFD];
	_ =	sdelay $0x3  }
0x98: {  	_ =	strace s5  }
0x99: {  	_ =	strace $0x8FFFFFFF  }
0x9a: {  	s19 =	sld [smem:$0x3FDB];
	_ =	sdelay $0x1  }
0x9b: {  	s6 =	simm.s32 $_scs_section_size  }
0x9c: {  	s7 =	simm.s32 $_size__tile_overlayer_lowered;
	s8 =	simm.s32 $_tile_overlayer_lowered  }
0x9d: {  	s22 =	simm.s32 $0x1BFF;
	s21 =	sshll.u32 s8, $0x1;
	s5 =	sadd.s32 s6, s19  }
0x9e: {  	s9 =	simm.s32 $0x0;
	s20 =	sshll.u32 s7, $0x1;
	s7 =	sadd.s32 s21, s5  }
0x9f: {  	[timem:s9], [sflag:s22] =	dma.local [hbm:s7], s20  }
0xa0: {  	_ =	swait.ge [sflag:s22], s20  }
0xa1: {  	s6 =	ssub.s32 $0x0, s20;
	[sflag:s22] =	ssyncset.done $0x0  }
0xa2: {  	[sflag:s22] =	ssyncadd.s32 s6;
	_ =	sdelay $0x1  }
0xa3: {  	s23 =	simm.s32 $0x1B8B  }
0xa4: {  	_ =	swait.ge [sflag:s23], $0x1  }
0xa5: {  	[sflag:s23] =	ssyncset.done $0x0  }
0xa6: {  	s25 =	simm.s32 $0x1B8E;
	s24 =	sld [smem:$0x3FFE];
	[sflag:s23] =	ssyncadd.s32 $0xFFFFFFFF  }
0xa7: {  	s26 =	simm.s32 $execute0_lowered;
	[smem:$0x3FD2] =	sst s25  }
0xa8: {  	s7 =	sshll.u32 s26, $0x1;
	_ =	strace $0x80000046;
	[dreg:$0x1] =	wrdreg $0xFFFFFFFF  }
0xa9: {  	s28 =	simm.s32 $_size_execute0_lowered;
	s5 =	sadd.s32 s5, s7;
	[dreg:$0x0] =	wrdreg $0x0  }
0xaa: {  	s7 =	sshll.u32 s28, $0x1;
	[dreg:$0x2] =	wrdreg s5  }
0xab: {  	[dreg:$0x3] =	wrdreg s7  }
0xac: {  	[dreg:$0x4] =	wrdreg $0xC0  }
0xad: {  	_ =	task [dreg:s9], $0x5FFFF  }
0xae: {  	[dreg:$0x1] =	wrdreg $0xFFFFFFFF  }
0xaf: {  	[dreg:$0x0] =	wrdreg $0x60  }
0xb0: {  	[dreg:$0x2] =	wrdreg s2  }
0xb1: {  	[dreg:$0x3] =	wrdreg s18  }
0xb2: {  	[dreg:$0x4] =	wrdreg s24  }
0xb3: {  	[dreg:$0x5] =	wrdreg s4  }
0xb4: {  	[dreg:$0x6] =	wrdreg $0x9  }
0xb5: {  	_ =	task.clear_ibuf [dreg:s9], $0x7FFFF;
	_ =	strace $0x90000046  }
0xb6: {  	s29 =	simm.s32 $0x9;
	_ =	strace $0x80000048  }
0xb7: {  	_ =	swait.ge [sflag:s29], $0x1  }
0xb8: {  	[sflag:s29] =	ssyncadd.s32 $0xFFFFFFFF  }
0xb9: {  	_ =	strace $0x90000048  }
0xba: {  	_ =	sfence  }
0xbb: {  	s30 =	sld [smem:$0x0];
	_ =	sdelay $0x2  }
0xbc: {  	s31 =	sshll.u32 s1, $0xD;
	s1 =	sshrl.u32 s1, $0x2  }
0xbd: {  	s3 =	sand.u32 $0x4000, s31;
	s1 =	sadd.s32 s1, s30  }
0xbe: {  	s0 =	sor.u32 s3, s0;
	s1 =	sshll.u32 s1, $0x11  }
0xbf: {  	s0 =	sor.u32 s1, s0  }
0xc0: {  	s0 =	sadd.s32 $0x8F2B, s0  }
0xc1: {  	[sflag:s0] =	ssyncadd.remote.s32 $0x1  }
0xc2: {  	_ =	sfence.sel $0xFFFF  }
0xc3: {  	[dreg:$0x0] =	wrdreg $0xFFFFFFFF;
	(pc) =	sbr.abs _section_cstart, $3  }
0xc4: {  	[dreg:$0x1] =	wrdreg $0xFFFFFFFF  }
0xc5: {  	_ =	task.clear_ibuf [dreg:s9], $0x2FFFF;
	_ =	strace $0x9FFFFFFF  }
0xc6: {  	(tm) =	ssettm $0x7FFFFFFF  }
0xc7: {  	_ =	shalt  }
tec
execute0_lowered:
.L_overlay_start_1:
0x0: {  	(tag) =	ssettag $0x1  }
0x1: {  	s5 =	rddreg [dreg:$0x0]  }
0x2: {  	s6 =	rddreg [dreg:$0x1]  }
0x3: {  	s0 =	rddreg [dreg:$0x2]  }
0x4: {  	s1 =	srdreg.scid;
	s7 =	stileid.u32  }
0x5: {  	s9 =	simm.s32 $0x0;
	s8 =	simm.s32 $0xF5;
	s17 =	simm.s32 $0x2100  }
0x6: {  	s19 =	simm.s32 $0x2180;
	s28 =	simm.s32 $0x4000;
	s29 =	simm.s32 $0x2  }
0x7: {  	s1 =	sand.u32 $0x1, s1;
	s2 =	sshll.u32 s7, $0x1;
	[smem:$0x7FF] =	sst s9  }
0x8: {  	s4 =	sadd.s32 $0xC00, s0;
	p0 =	slt.u32 s7, $0x2;
	s2 =	sor.u32 s1, s2  }
0x9: {  	_ =	strace $0x80000047;
	[dreg:$0x5] =	wrdreg s4;
	s3 =	smul.u32 $0x3C0, s2  }
0xa: {  	s1 =	ssub.s32 $0x2, s1;
	s8 =	simm.s32 @!p0 $0xF4;
	s21 =	smul.u32 $0xF4, s2  }
0xb: {  	s22 =	sshrl.u32 s1, $0x1;
	s2 =	smin.u32 s2, $0x4;
	s26 =	sadd.s32 $0xFFFFFFFF, s8  }
0xc: {  	s1 =	ssub.s32 s1, s22;
	[dreg:$0xb] =	wrdreg s26;
	s4 =	sadd.s32 s2, s21  }
0xd: {  	s0 =	sadd.s32 s3, s0;
	s31 =	smax.u32 s1, $0x1;
	s2 =	sshll.u32 s4, $0x7  }
0xe: {  	s23 =	sadd.s32 $0x1, s4;
	[dreg:$0x6] =	wrdreg s4;
	s4 =	sshll.u32 s4, $0x4  }
0xf: {  	s30 =	sadd.s32 $0xE00, s0;
	s0 =	sadd.s32 $0x8600, s0;
	[dreg:$0xe] =	wrdreg s31  }
0x10: {  	s2 =	sadd.s32 s5, s2;
	s24 =	sshll.u32 s23, $0x7;
	[dreg:$0xc] =	wrdreg s30  }
.Ltmp0:
0x11: {  	s3 =	sshll.u32 s23, $0x4;
	[dreg:$0xd] =	wrdreg s0;
	(pc) =	sbr.rel .LBB2_1-.Ltmp0, $4  }
0x12: {  	s4 =	sadd.s32 s6, s4;
	[dreg:$0x7] =	wrdreg s2;
	s2 =	sand.u32 $0x1FFFFF80, s24  }
0x13: {  	[dreg:$0x8] =	wrdreg s4;
	s25 =	sand.u32 $0x1FFFFFF0, s3;
	s2 =	sadd.s32 s5, s2  }
0x14: {  	v0 =	vimm.s32 $0x0;
	s26 =	simm.s32 $0x2200;
	[dreg:$0x9] =	wrdreg s2;
	s2 =	sadd.s32 s6, s25  }
0x15: {  	v1 =	vimm.f32 $0.0e+00;
	v2 =	vlaneseq.u32;
	v3 =	vimm.s32 $0x10000;
	s1 =	simm.s32 $0x3;
	[dreg:$0xa] =	wrdreg s2;
	s2 =	simm.s32 $0x0  }
.LBB2_13:
0x16: {  	s9 =	simm.s32 $0x0;
	s0 =	rddreg [dreg:$0xc];
	s1 =	simm.s32 $0x3  }
0x17: {  	[hbm4b:s0+s9] =	stream.linear.scatter [tilespmem:s26], [sflag:$0x3], $0x1E00, $0x38;
	[tilespmem:$0x5E00] =	vst v63  }
0x18: {  	_ =	swait.ge [sflag:s1], $0x1E00  }
0x19: {  	[sflag:s1] =	ssyncset.done $0x0  }
0x1a: {  	s30 =	rddreg [dreg:$0xd];
	[sflag:s1] =	ssyncadd.s32 $0xFFFFE200  }
0x1b: {  	[hbm4b:s30+s9] =	stream.linear.scatter [tilespmem:s28], [sflag:$0x3], $0x1E00, $0x38;
	[tilespmem:$0x5E00] =	vst v63  }
0x1c: {  	_ =	swait.ge [sflag:s1], $0x1E00  }
0x1d: {  	s2 =	rddreg [dreg:$0xf]  }
0x1e: {  	s31 =	rddreg [dreg:$0xe];
	s2 =	sadd.s32 $0x1, s2  }
0x1f: {  	p0 =	sne.s32 s2, s31  }
.Ltmp1:
0x20: {  	_ = 	snop;
	(pc) =	sbr.rel @!p0 .LBB2_14-.Ltmp1, $3  }
0x21: {  	_ =	sdelay $0x1  }
0x22: {  	[sflag:s1] =	ssyncset.done $0x0  }
0x23: {  	[sflag:s1] =	ssyncadd.s32 $0xFFFFE200  }
.LBB2_1:
0x24: {  	[dreg:$0xf] =	wrdreg s2  }
0x25: {  	s0 =	rddreg [dreg:$0x5]  }
0x26: {  	[tilespmem:s17], [sflag:$0x3] =	stream.linear.gather [hbm4b:s0+s9], $0x80, $0x38;
	[tilespmem:$0x5E00] =	vst v63  }
0x27: {  	_ =	swait.ge [sflag:s1], $0x80  }
0x28: {  	[sflag:s1] =	ssyncset.done $0x0  }
0x29: {  	[sflag:s1] =	ssyncadd.s32 $0xFFFFFF80  }
0x2a: {  	s31 =	rddreg [dreg:$0x3]  }
0x2b: {  	[tilespmem:s19], [sflag:$0x3] =	stream.linear.gather [hbm4b:s31+s9], $0x80, $0x38;
	[tilespmem:$0x5E00] =	vst v63  }
0x2c: {  	_ =	swait.ge [sflag:s1], $0x80  }
0x2d: {  	[sflag:s1] =	ssyncset.done $0x0  }
0x2e: {  	s0 =	simm.s32 $0x40;
	[sflag:s1] =	ssyncadd.s32 $0xFFFFFF80;
	s1 =	simm.s32 $0x0  }
.LBB2_2:
0x2f: {  	p0 =	sne.s32 s0, $0x77C0;
	[tilespmem:s1+$0x2200] =	vst v0;
	s2 =	smov.u32 s0;
	s0 =	sadd.s32 $0x40, s0  }
.Ltmp2:
0x30: {  	[tilespmem:s1+$0x4000] =	vst v1;
	(pc) =	sbr.rel @p0 .LBB2_2-.Ltmp2, $2  }
0x31: {  	_ =	sdelay $0x2  }
0x32: {  	s1 =	sshra.s32 s2, $0x2  }
0x33: {  	[tilespmem:s1+$0x2200] =	vst v0;
	s31 =	simm.s32 $0x0  }
0x34: {  	[tilespmem:s1+$0x4000] =	vst v1;
	s0 =	rddreg [dreg:$0x7];
	s21 =	simm.s32 $0x400;
	s2 =	simm.s32 $0x7A1400  }
0x35: {  	[tilespmem:s31], [sflag:$0x1] =	stream.strided.gather [hbm4b:s0+s21], $0x1000, s2, s21, $0x38;
	[tilespmem:$0x5E00] =	vst v63  }
0x36: {  	s22 =	rddreg [dreg:$0x8];
	s3 =	simm.s32 $0x2000  }
0x37: {  	[tilespmem:s3], [sflag:$0x1] =	stream.linear.gather [hbm4b:s22+s31], $0x80, $0x38;
	[tilespmem:$0x5E00] =	vst v63  }
.Ltmp3:
0x38: {  	_ = 	snop;
	(pc) =	sbr.rel .LBB2_4-.Ltmp3, $4  }
0x39: {  	s23 =	rddreg [dreg:$0x9];
	s24 =	simm.s32 $0x1000  }
0x3a: {  	[tilespmem:s24], [sflag:$0x2] =	stream.strided.gather [hbm4b:s23+s21], $0x1000, s2, s21, $0x38;
	[tilespmem:$0x5E00] =	vst v63  }
0x3b: {  	s25 =	rddreg [dreg:$0xa];
	s30 =	simm.s32 $0x2080  }
0x3c: {  	[tilespmem:s30], [sflag:$0x2] =	stream.linear.gather [hbm4b:s25+s31], $0x80, $0x38;
	[tilespmem:$0x5E00] =	vst v63  }
.LBB2_12:
0x3d: {  	s31 =	sadd.s32 $0x1, s31  }
0x3e: {  	p0 =	sne.s32 s31, $0x7B  }
.Ltmp4:
0x3f: {  	_ = 	snop;
	(pc) =	sbr.rel @!p0 .LBB2_13-.Ltmp4, $1  }
0x40: {  	_ =	sdelay $0x3  }
.LBB2_4:
0x41: {  	s0 =	sshll.u32 s31, $0x1  }
0x42: {  	p0 =	sge.u32 s0, s8  }
.Ltmp5:
0x43: {  	_ = 	snop;
	(pc) =	sbr.rel @p0 .LBB2_8-.Ltmp5, $1  }
0x44: {  	_ =	sdelay $0x3  }
0x45: {  	s5 =	simm.s32 $0x1  }
0x46: {  	_ =	swait.ge [sflag:s5], $0x1000  }
0x47: {  	s2 =	simm.s32 $0x0;
	[sflag:s5] =	ssyncset.done $0x0  }
0x48: {  	s1 =	sand.u32 $0xC, s2;
	[sflag:s5] =	ssyncadd.s32 $0xFFFFF000  }
0x49: {  	s3 =	sor.u32 $0x3, s1;
	_ =	swait.ge [sflag:s5], $0x80  }
0x4a: {  	s4 =	sand.u32 $0x70, s2;
	s12 =	sshll.u32 s3, $0x7;
	[sflag:s5] =	ssyncset.done $0x0  }
0x4b: {  	s2 =	sor.u32 s4, s12;
	[sflag:s5] =	ssyncadd.s32 $0xFFFFFF80  }
0x4c: {  	v4 =	vld [tilespmem:s2+$0x0];
	_ =	sdelay $0x4  }
0x4d: {  	v5 =	vmul.f32 $1.500000000e+01, v4;
	_ =	sdelay $0x1  }
0x4e: {  	s7 =	sshll.u32 s1, $0x7;
	v5 =	vtrunc.f32 v5  }
0x4f: {  	s16 =	sor.u32 s4, s7;
	s12 =	sor.u32 $0x2, s1;
	v5 =	vcvt.f32.s32 v5  }
0x50: {  	s13 =	sor.u32 $0x1, s1;
	s6 =	sshll.u32 s12, $0x7;
	v10 =	vld [tilespmem:s16+$0x0]  }
0x51: {  	s15 =	sshll.u32 s13, $0x7;
	s6 =	sor.u32 s4, s6  }
0x52: {  	s2 =	sor.u32 s4, s15;
	v11 =	vld [tilespmem:s6+$0x0]  }
0x53: {  	v12 =	vld [tilespmem:s2+$0x0];
	_ =	sdelay $0x1  }
0x54: {  	v13 =	vmul.f32 $1.500000000e+01, v10;
	v6 =	vld.idx.msk [tilespmem:v5+s17+$0x0], $0xffff  }
0x55: {  	v9 =	vld.idx.msk [tilespmem:v5+s19+$0x0], $0xffff  }
0x56: {  	v8 =	vmul.f32 $1.500000000e+01, v11;
	v13 =	vtrunc.f32 v13  }
0x57: {  	s18 =	sshll.u32 s3, $0x4;
	v7 =	vmul.f32 $1.500000000e+01, v12;
	v14 =	vcvt.f32.s32 v13  }
0x58: {  	v15 =	vor.u32 s18, v2;
	v8 =	vtrunc.f32 v8  }
0x59: {  	v7 =	vtrunc.f32 v7;
	v8 =	vcvt.f32.s32 v8;
	vm0 =	vlt.f32 v4, v6  }
0x5a: {  	v5 =	vshll.u32 v5, $0x9;
	vm1 =	vgt.f32 v4, v9;
	v13 =	vsel vm0, $0xFFFFFE00, v0  }
0x5b: {  	v7 =	vcvt.f32.s32 v7;
	v5 =	vor.u32 s18, v5;
	v16 =	vsel vm1, $0x200, v13  }
0x5c: {  	vm0 =	vne.f32 v4, v6;
	v13 =	vld [tilespmem:s4+$0x2000];
	vm1 =	vne.f32 v4, v9;
	v5 =	vadd.s32 v16, v5  }
0x5d: {  	v6 =	vand.u32 $0x7F, v15;
	v15 =	vld.idx.msk [tilespmem:v14+s17+$0x0], $0xffff;
	vm0 =	vmand vm0, vm1;
	v5 =	vand.u32 $0xFFFFFF80, v5  }
0x5e: {  	v5 =	vor.u32 v6, v5  }
0x5f: {  	v9 =	vld.idx.msk [tilespmem:v8+s17+$0x0], $0xffff  }
0x60: {  	s22 =	sshll.u32 s1, $0x4;
	s20 =	sshll.u32 s13, $0x4  }
0x61: {  	v18 =	vor.u32 s22, v2;
	v17 =	vor.u32 s20, v2;
	v21 =	vld.idx.msk [tilespmem:v7+s19+$0x0], $0xffff;
	vm1 =	veq.s32 v13, s3  }
0x62: {  	s14 =	sor.u32 $0x13, s1;
	v18 =	vand.u32 $0x4F, v18;
	v6 =	vld.idx.msk [tilespmem:v7+s17+$0x0], $0xffff;
	vm2 =	vlt.f32 v10, v15;
	v16 =	vsel vm1, $0x10001, v3  }
0x63: {  	s23 =	sshll.u32 s14, $0x7;
	v17 =	vand.u32 $0x5F, v17;
	v27 =	vsel vm2, $0xFFFFFE00, v0;
	vm3 =	veq.s32 v13, s1;
	[tilespmem:v5+s26+$0x0] =	vst.idx.add.s32.msk vm0, v16  }
0x64: {  	s9 =	sor.u32 s4, s23;
	s15 =	sor.u32 $0x12, s1;
	s18 =	sor.u32 $0x11, s1;
	vm4 =	vne.f32 v11, v9;
	vm7 =	veq.s32 v13, s13;
	vm8 =	veq.s32 v13, s12;
	[tilespmem:v5+s28+$0x0] =	vst.idx.add.f32.msk vm0, v4  }
0x65: {  	vm12 =	veq.s32 v13, s18;
	vm13 =	veq.s32 v13, s15;
	v4 =	vshll.u32 v7, $0x9;
	v19 =	vld [tilespmem:s9+$0x0]  }
0x66: {  	vm1 =	vlt.f32 v11, v9;
	v20 =	vor.u32 s20, v4;
	v4 =	vshll.u32 v8, $0x9;
	v8 =	vld.idx.msk [tilespmem:v8+s19+$0x0], $0xffff  }
0x67: {  	s21 =	sshll.u32 s12, $0x4;
	v9 =	vsel vm12, $0x10001, v3;
	v5 =	vshll.u32 v14, $0x9;
	v14 =	vld.idx.msk [tilespmem:v14+s19+$0x0], $0xffff;
	vm0 =	vlt.f32 v12, v6  }
0x68: {  	v16 =	vor.u32 s21, v2;
	v25 =	vsel vm0, $0xFFFFFE00, v0;
	vm0 =	vgt.f32 v12, v21  }
0x69: {  	v26 =	vsel vm1, $0xFFFFFE00, v0;
	v16 =	vand.u32 $0x6F, v16;
	v25 =	vsel vm0, $0x200, v25  }
0x6a: {  	v23 =	vor.u32 s21, v4;
	vm0 =	vne.f32 v12, v6;
	v20 =	vadd.s32 v25, v20  }
0x6b: {  	s3 =	simm.s32 $0x4;
	v20 =	vand.u32 $0xFFFFFF80, v20;
	v24 =	vmul.f32 $1.500000000e+01, v19;
	vm1 =	vgt.f32 v11, v8  }
0x6c: {  	s6 =	sor.u32 $0x10, s1;
	s1 =	sand.u32 $0xC, s3;
	vm2 =	vgt.f32 v10, v14;
	v26 =	vsel vm1, $0x200, v26;
	vm1 =	vne.f32 v12, v21  }
0x6d: {  	s16 =	sor.u32 $0x3, s1;
	vm6 =	vne.f32 v10, v14;
	v24 =	vtrunc.f32 v24;
	vm0 =	vmand vm0, vm1  }
0x6e: {  	s12 =	sand.u32 $0x70, s3;
	s24 =	sshll.u32 s16, $0x7;
	v27 =	vsel vm2, $0x200, v27;
	v21 =	vor.u32 v17, v20;
	v24 =	vcvt.f32.s32 v24  }
0x6f: {  	s2 =	sor.u32 s12, s24;
	s20 =	sshll.u32 s1, $0x7;
	s21 =	sor.u32 $0x1, s1;
	vm2 =	vne.f32 v10, v15;
	vm5 =	vne.f32 v11, v8;
	v23 =	vadd.s32 v26, v23  }
0x70: {  	s11 =	sshll.u32 s15, $0x4;
	s25 =	sshll.u32 s21, $0x7;
	v17 =	vld [tilespmem:s2+$0x0];
	s2 =	sor.u32 s12, s20;
	vm1 =	vmand vm2, vm6;
	vm2 =	vmand vm4, vm5;
	v23 =	vand.u32 $0xFFFFFF80, v23  }
0x71: {  	s10 =	sshll.u32 s18, $0x4;
	v7 =	vor.u32 s11, v2;
	v22 =	vor.u32 s22, v5;
	s7 =	sor.u32 s12, s25;
	v14 =	vld [tilespmem:s2+$0x0];
	v16 =	vor.u32 v16, v23  }
0x72: {  	s24 =	sshll.u32 s15, $0x7;
	s15 =	sshll.u32 s16, $0x4;
	v5 =	vor.u32 s10, v2;
	v8 =	vsel vm7, $0x10001, v3;
	v22 =	vadd.s32 v27, v22;
	v23 =	vld [tilespmem:s7+$0x0]  }
0x73: {  	s30 =	sshll.u32 s14, $0x4;
	s9 =	sshll.u32 s6, $0x4;
	v7 =	vand.u32 $0x6F, v7;
	v34 =	vor.u32 s15, v2;
	v22 =	vand.u32 $0xFFFFFE80, v22;
	[tilespmem:v21+s26+$0x0] =	vst.idx.add.s32.msk vm0, v8  }
0x74: {  	s23 =	sshll.u32 s18, $0x7;
	s5 =	sor.u32 $0x2, s1;
	v4 =	vor.u32 s9, v2;
	v5 =	vand.u32 $0x5F, v5;
	s20 =	sor.u32 $0x11, s1;
	v15 =	vor.u32 v18, v22;
	v18 =	vld.idx.msk [tilespmem:v24+s17+$0x0], $0xffff  }
0x75: {  	v25 =	vsel vm3, $0x10001, v3;
	vm3 =	veq.s32 v13, s6;
	s6 =	sshll.u32 s6, $0x7;
	v26 =	vsel vm8, $0x10001, v3;
	s2 =	sor.u32 s4, s23;
	s23 =	sshll.u32 s20, $0x4;
	v22 =	vld.idx.msk [tilespmem:v24+s19+$0x0], $0xffff  }
0x76: {  	v4 =	vand.u32 $0x4F, v4;
	v38 =	vor.u32 s23, v2;
	s7 =	sor.u32 s4, s24;
	s4 =	sor.u32 s4, s6;
	s6 =	sor.u32 $0x12, s1;
	v6 =	vshll.u32 v24, $0x9;
	[tilespmem:v16+s26+$0x0] =	vst.idx.add.s32.msk vm2, v26  }
0x77: {  	s13 =	sshll.u32 s5, $0x7;
	s24 =	sshll.u32 s6, $0x4;
	v27 =	vor.u32 s30, v6;
	v6 =	vsel vm3, $0x10001, v3;
	[tilespmem:v16+s28+$0x0] =	vst.idx.add.f32.msk vm2, v11;
	v16 =	vmul.f32 $1.500000000e+01, v23  }
0x78: {  	s22 =	sor.u32 s12, s13;
	v39 =	vor.u32 s24, v2;
	v8 =	vsel vm13, $0x10001, v3;
	[tilespmem:v21+s28+$0x0] =	vst.idx.add.f32.msk vm0, v12;
	v12 =	vmul.f32 $1.500000000e+01, v17  }
0x79: {  	v20 =	vld [tilespmem:s22+$0x0];
	v24 =	vor.u32 s30, v2;
	vm2 =	veq.s32 v13, s14;
	v16 =	vtrunc.f32 v16  }
0x7a: {  	[tilespmem:v15+s26+$0x0] =	vst.idx.add.s32.msk vm1, v25;
	s14 =	sshll.u32 s1, $0x4;
	v11 =	vtrunc.f32 v12;
	v16 =	vcvt.f32.s32 v16;
	vm14 =	vlt.f32 v19, v18  }
0x7b: {  	[tilespmem:v15+s28+$0x0] =	vst.idx.add.f32.msk vm1, v10;
	v15 =	vor.u32 s14, v2;
	vm3 =	vgt.f32 v19, v22;
	v28 =	vsel vm14, $0xFFFFFE00, v0  }
0x7c: {  	v31 =	vsel vm2, $0x10001, v3;
	vm0 =	vne.f32 v19, v18;
	v28 =	vsel vm3, $0x200, v28  }
0x7d: {  	v18 =	vand.u32 $0x7F, v24;
	vm3 =	vne.f32 v19, v22;
	v21 =	vadd.s32 v28, v27  }
0x7e: {  	s25 =	sshll.u32 s21, $0x4;
	v12 =	vld [tilespmem:s2+$0x0];
	v22 =	vcvt.f32.s32 v11;
	v13 =	vand.u32 $0xFFFFFF80, v21;
	v21 =	vmul.f32 $1.500000000e+01, v20  }
0x7f: {  	v24 =	vor.u32 s25, v2;
	v11 =	vld [tilespmem:s7+$0x0];
	v28 =	vor.u32 v18, v13;
	v13 =	vmul.f32 $1.500000000e+01, v14  }
0x80: {  	v29 =	vand.u32 $0x4F, v15;
	v26 =	vand.u32 $0x5F, v24;
	v40 =	vld.idx.msk [tilespmem:v16+s17+$0x0], $0xffff;
	v21 =	vtrunc.f32 v21  }
0x81: {  	s30 =	sshll.u32 s5, $0x4;
	v15 =	vshll.u32 v16, $0x9;
	v49 =	vld.idx.msk [tilespmem:v16+s19+$0x0], $0xffff;
	v10 =	vtrunc.f32 v13;
	v21 =	vcvt.f32.s32 v21  }
0x82: {  	v24 =	vor.u32 s25, v15;
	v18 =	vor.u32 s30, v2;
	v13 =	vld [tilespmem:s12+$0x2000];
	v25 =	vcvt.f32.s32 v10  }
0x83: {  	vm0 =	vmand vm0, vm3;
	v30 =	vand.u32 $0x6F, v18;
	v10 =	vld [tilespmem:s4+$0x0];
	v15 =	vshll.u32 v21, $0x9  }
0x84: {  	v37 =	vmul.f32 $1.500000000e+01, v11;
	v27 =	vld.idx.msk [tilespmem:v22+s17+$0x0], $0xffff;
	s4 =	sor.u32 $0x10, s1;
	v18 =	vshll.u32 v25, $0x9;
	v33 =	vor.u32 s30, v15  }
0x85: {  	s22 =	sshll.u32 s4, $0x4;
	v15 =	vmul.f32 $1.500000000e+01, v12;
	v32 =	vor.u32 s14, v18;
	v18 =	vld.idx.msk [tilespmem:v22+s19+$0x0], $0xffff;
	v22 =	vshll.u32 v22, $0x9  }
0x86: {  	v35 =	vor.u32 s22, v2;
	vm5 =	vne.f32 v23, v40;
	v22 =	vor.u32 s15, v22  }
0x87: {  	vm1 =	veq.s32 v13, s16;
	vm2 =	veq.s32 v13, s21;
	v41 =	vtrunc.f32 v15  }
0x88: {  	v15 =	vand.u32 $0x4F, v35;
	vm4 =	veq.s32 v13, s5;
	v36 =	vmul.f32 $1.500000000e+01, v10  }
0x89: {  	vm3 =	vlt.f32 v17, v27;
	v53 =	vsel vm1, $0x10001, v3;
	vm1 =	vgt.f32 v23, v49  }
0x8a: {  	v48 =	vld.idx.msk [tilespmem:v21+s17+$0x0], $0xffff;
	v58 =	vsel vm2, $0x10001, v3;
	v42 =	vsel vm3, $0xFFFFFE00, v0;
	vm15 =	vgt.f32 v17, v18  }
0x8b: {  	v50 =	vld.idx.msk [tilespmem:v21+s19+$0x0], $0xffff;
	vm3 =	vne.f32 v17, v27;
	v27 =	vcvt.f32.s32 v41;
	v42 =	vsel vm15, $0x200, v42  }
0x8c: {  	v36 =	vtrunc.f32 v36;
	vm8 =	vne.f32 v17, v18;
	v18 =	vadd.s32 v42, v22  }
0x8d: {  	v43 =	vld.idx.msk [tilespmem:v25+s17+$0x0], $0xffff;
	vm9 =	vmand vm3, vm8;
	v16 =	vand.u32 $0xFFFFFF80, v18;
	v18 =	vand.u32 $0x7F, v34  }
0x8e: {  	v60 =	vsel vm4, $0x10001, v3;
	v25 =	vld.idx.msk [tilespmem:v25+s19+$0x0], $0xffff;
	v36 =	vcvt.f32.s32 v36;
	v21 =	vor.u32 v18, v16  }
0x8f: {  	v51 =	vshll.u32 v27, $0x9;
	vm3 =	vlt.f32 v23, v40;
	vm15 =	vne.f32 v23, v49  }
0x90: {  	v22 =	vtrunc.f32 v37;
	vm10 =	vlt.f32 v20, v48;
	vm12 =	vgt.f32 v20, v50  }
0x91: {  	vm7 =	vmand vm5, vm15;
	v62 =	vshll.u32 v36, $0x9;
	v37 =	vcvt.f32.s32 v22  }
0x92: {  	s21 =	sor.u32 $0x13, s1;
	vm11 =	vlt.f32 v14, v43;
	v22 =	vsel vm3, $0xFFFFFE00, v0;
	v52 =	vsel vm10, $0xFFFFFE00, v0  }
0x93: {  	vm3 =	veq.s32 v13, s1;
	s1 =	sshll.u32 s21, $0x7;
	vm13 =	vgt.f32 v14, v25;
	vm14 =	vne.f32 v14, v25;
	[tilespmem:v21+s26+$0x0] =	vst.idx.add.s32.msk vm9, v53  }
0x94: {  	v34 =	vor.u32 s9, v62;
	v18 =	vand.u32 $0x5F, v38;
	v16 =	vand.u32 $0x6F, v39;
	s1 =	sor.u32 s12, s1;
	[tilespmem:v21+s28+$0x0] =	vst.idx.add.f32.msk vm9, v17  }
0x95: {  	v44 =	vsel vm11, $0xFFFFFE00, v0;
	v39 =	vsel vm12, $0x200, v52;
	vm12 =	vne.f32 v20, v48;
	v17 =	vld [tilespmem:s1+$0x0]  }
0x96: {  	v54 =	vsel vm13, $0x200, v44;
	v55 =	vshll.u32 v37, $0x9;
	v21 =	vsel vm1, $0x200, v22;
	v22 =	vld.idx.msk [tilespmem:v27+s17+$0x0], $0xffff  }
0x97: {  	v33 =	vadd.s32 v39, v33;
	vm13 =	vne.f32 v20, v50;
	v32 =	vadd.s32 v54, v32;
	v27 =	vld.idx.msk [tilespmem:v27+s19+$0x0], $0xffff  }
0x98: {  	v33 =	vand.u32 $0xFFFFFF80, v33;
	v63 =	vor.u32 s11, v55;
	v24 =	vadd.s32 v21, v24;
	v21 =	vld.idx.msk [tilespmem:v37+s17+$0x0], $0xffff  }
0x99: {  	v32 =	vand.u32 $0xFFFFFE80, v32;
	v33 =	vor.u32 v30, v33;
	v56 =	vand.u32 $0xFFFFFF80, v24;
	v24 =	vld.idx.msk [tilespmem:v36+s17+$0x0], $0xffff  }
0x9a: {  	v25 =	vld.idx.msk [tilespmem:v37+s19+$0x0], $0xffff;
	vm1 =	vne.f32 v14, v43;
	v57 =	vor.u32 v26, v56;
	v59 =	vmul.f32 $1.500000000e+01, v17  }
0x9b: {  	v30 =	vsel vm3, $0x10001, v3;
	vm1 =	vmand vm1, vm14;
	vm14 =	vmand vm12, vm13;
	v26 =	vld.idx.msk [tilespmem:v36+s19+$0x0], $0xffff  }
0x9c: {  	[tilespmem:v28+s26+$0x0] =	vst.idx.add.s32.msk vm0, v31;
	v29 =	vor.u32 v29, v32;
	vm2 =	vlt.f32 v12, v22;
	v31 =	vtrunc.f32 v59  }
0x9d: {  	[tilespmem:v28+s28+$0x0] =	vst.idx.add.f32.msk vm0, v19;
	v61 =	vsel vm2, $0xFFFFFE00, v0;
	vm2 =	vgt.f32 v12, v27;
	v28 =	vcvt.f32.s32 v31  }
0x9e: {  	vm3 =	vlt.f32 v11, v21;
	vm15 =	vlt.f32 v10, v24;
	v35 =	vsel vm2, $0x200, v61  }
0x9f: {  	v19 =	vsel vm15, $0xFFFFFE00, v0;
	[tilespmem:v57+s26+$0x0] =	vst.idx.add.s32.msk vm7, v58;
	v31 =	vsel vm3, $0xFFFFFE00, v0;
	vm3 =	vgt.f32 v11, v25  }
0xa0: {  	vm0 =	vgt.f32 v10, v26;
	[tilespmem:v57+s28+$0x0] =	vst.idx.add.f32.msk vm7, v23;
	v23 =	vor.u32 s10, v51;
	v31 =	vsel vm3, $0x200, v31  }
0xa1: {  	s25 =	sshll.u32 s20, $0x7;
	s18 =	sshll.u32 s4, $0x7;
	s30 =	sshll.u32 s6, $0x7;
	[tilespmem:v33+s26+$0x0] =	vst.idx.add.s32.msk vm14, v60;
	v19 =	vsel vm0, $0x200, v19;
	v35 =	vadd.s32 v35, v23;
	v31 =	vadd.s32 v31, v63  }
0xa2: {  	s9 =	sor.u32 s12, s30;
	s11 =	sor.u32 s12, s25;
	[tilespmem:v33+s28+$0x0] =	vst.idx.add.f32.msk vm14, v20;
	s10 =	sor.u32 s12, s18;
	v23 =	vadd.s32 v19, v34;
	v19 =	vand.u32 $0xFFFFFF80, v35;
	v20 =	vand.u32 $0xFFFFFF80, v31  }
.LBB2_6:
0xa3: {  	s3 =	sadd.s32 $0x4, s3;
	v31 =	vld.idx.msk [tilespmem:v28+s17+$0x0], $0xffff;
	v23 =	vand.u32 $0xFFFFFF80, v23;
	vm2 =	vne.f32 v12, v22;
	vm3 =	vne.f32 v12, v27  }
0xa4: {  	vm0 =	vne.f32 v10, v24;
	vm4 =	vne.f32 v11, v21;
	vm5 =	vne.f32 v11, v25;
	s15 =	sand.u32 $0xC, s3;
	v22 =	vld.idx.msk [tilespmem:v28+s19+$0x0], $0xffff  }
0xa5: {  	vm6 =	veq.s32 v13, s4;
	vm7 =	veq.s32 v13, s20;
	vm8 =	vne.f32 v10, v26;
	s12 =	sor.u32 $0x1, s15;
	s14 =	sor.u32 $0x2, s15;
	s30 =	sor.u32 $0x3, s15;
	[tilespmem:v29+s26+$0x0] =	vst.idx.add.s32.msk vm1, v30  }
0xa6: {  	vm9 =	veq.s32 v13, s6;
	v21 =	vor.u32 v5, v19;
	v24 =	vor.u32 v7, v20;
	s16 =	sand.u32 $0x70, s3;
	s1 =	sshll.u32 s12, $0x7;
	s2 =	sshll.u32 s30, $0x7;
	[tilespmem:v29+s28+$0x0] =	vst.idx.add.f32.msk vm1, v14  }
0xa7: {  	v5 =	vmovc v18;
	v26 =	vor.u32 v4, v23;
	vm2 =	vmand vm2, vm3;
	v4 =	vmovc v15;
	s4 =	sshll.u32 s15, $0x7;
	s5 =	sshll.u32 s14, $0x7;
	vm1 =	vmand vm4, vm5;
	s2 =	sor.u32 s16, s2;
	v25 =	vld [tilespmem:s11+$0x0]  }
0xa8: {  	v7 =	vmovc v16;
	v15 =	vsel vm6, $0x10001, v3;
	v18 =	vsel vm7, $0x10001, v3;
	vm0 =	vmand vm0, vm8;
	s1 =	sor.u32 s16, s1;
	s5 =	sor.u32 s16, s5;
	s11 =	sshll.u32 s21, $0x4;
	v23 =	vld [tilespmem:s2+$0x0]  }
0xa9: {  	v16 =	vsel vm9, $0x10001, v3;
	s6 =	sor.u32 s16, s4;
	s7 =	sshll.u32 s12, $0x4;
	s2 =	sshll.u32 s14, $0x4;
	v27 =	vor.u32 s11, v2;
	vm3 =	vlt.f32 v17, v31;
	v20 =	vld [tilespmem:s1+$0x0]  }
0xaa: {  	v28 =	vshll.u32 v28, $0x9;
	s13 =	sshll.u32 s15, $0x4;
	s20 =	sor.u32 $0x11, s15;
	s4 =	sor.u32 $0x10, s15;
	vm4 =	vgt.f32 v17, v22;
	v29 =	vsel vm3, $0xFFFFFE00, v0;
	v19 =	vld [tilespmem:s5+$0x0]  }
0xab: {  	v28 =	vor.u32 s11, v28;
	s1 =	sshll.u32 s4, $0x7;
	v27 =	vand.u32 $0x7F, v27;
	s5 =	sshll.u32 s20, $0x7;
	v29 =	vsel vm4, $0x200, v29;
	v14 =	vld [tilespmem:s6+$0x0];
	s6 =	sor.u32 $0x12, s15  }
0xac: {  	vm3 =	vne.f32 v17, v31;
	s25 =	sor.u32 s16, s1;
	vm4 =	vne.f32 v17, v22;
	s11 =	sor.u32 s16, s5;
	v22 =	vadd.s32 v29, v28;
	s1 =	sshll.u32 s6, $0x7;
	v30 =	vld [tilespmem:s9+$0x0]  }
0xad: {  	s18 =	sshll.u32 s20, $0x4;
	s5 =	sshll.u32 s4, $0x4;
	vm3 =	vmand vm3, vm4;
	v22 =	vand.u32 $0xFFFFFF80, v22;
	s9 =	sor.u32 s16, s1;
	v28 =	vmul.f32 $1.500000000e+01, v23;
	v29 =	vld [tilespmem:s10+$0x0]  }
0xae: {  	p0 =	slt.u32 s3, $0x7C;
	v31 =	vor.u32 s7, v2;
	s1 =	sshll.u32 s6, $0x4;
	v22 =	vor.u32 v27, v22;
	s10 =	smov.u32 s25;
	v32 =	vmul.f32 $1.500000000e+01, v20;
	[tilespmem:v21+s26+$0x0] =	vst.idx.add.s32.msk vm2, v9;
	v9 =	vmovc v18  }
0xaf: {  	v18 =	vor.u32 s2, v2;
	v27 =	vmul.f32 $1.500000000e+01, v19;
	v28 =	vtrunc.f32 v28;
	[tilespmem:v21+s28+$0x0] =	vst.idx.add.f32.msk vm2, v12;
	v12 =	vmovc v25  }
0xb0: {  	v21 =	vor.u32 s13, v2;
	v25 =	vmul.f32 $1.500000000e+01, v14;
	v28 =	vcvt.f32.s32 v28;
	[tilespmem:v24+s26+$0x0] =	vst.idx.add.s32.msk vm1, v8;
	v8 =	vmovc v16  }
0xb1: {  	vm2 =	veq.s32 v13, s21;
	v16 =	vtrunc.f32 v32;
	v27 =	vtrunc.f32 v27;
	[tilespmem:v24+s28+$0x0] =	vst.idx.add.f32.msk vm1, v11;
	v11 =	vmovc v30  }
0xb2: {  	v16 =	vcvt.f32.s32 v16;
	v24 =	vsel vm2, $0x10001, v3;
	v13 =	vtrunc.f32 v25;
	[tilespmem:v26+s26+$0x0] =	vst.idx.add.s32.msk vm0, v6;
	v6 =	vmovc v15  }
0xb3: {  	v30 =	vand.u32 $0x5F, v31;
	v25 =	vcvt.f32.s32 v27;
	v13 =	vcvt.f32.s32 v13;
	[tilespmem:v22+s26+$0x0] =	vst.idx.add.s32.msk vm3, v24  }
0xb4: {  	v32 =	vand.u32 $0x6F, v18;
	v31 =	vand.u32 $0x4F, v21;
	v15 =	vshll.u32 v16, $0x9;
	[tilespmem:v22+s28+$0x0] =	vst.idx.add.f32.msk vm3, v17  }
0xb5: {  	v33 =	vor.u32 s7, v15;
	v15 =	vshll.u32 v25, $0x9;
	v17 =	vshll.u32 v13, $0x9;
	[tilespmem:v26+s28+$0x0] =	vst.idx.add.f32.msk vm0, v10;
	v10 =	vmovc v29  }
0xb6: {  	v29 =	vor.u32 s2, v15;
	v15 =	vmul.f32 $1.500000000e+01, v12;
	v17 =	vor.u32 s13, v17;
	v21 =	vld.idx.msk [tilespmem:v28+s17+$0x0], $0xffff  }
0xb7: {  	v18 =	vor.u32 s5, v2;
	v26 =	vmul.f32 $1.500000000e+01, v11;
	v24 =	vmul.f32 $1.500000000e+01, v10;
	v22 =	vld.idx.msk [tilespmem:v28+s19+$0x0], $0xffff  }
0xb8: {  	v35 =	vor.u32 s1, v2;
	v27 =	vor.u32 s18, v2;
	v36 =	vtrunc.f32 v15;
	v34 =	vld.idx.msk [tilespmem:v16+s17+$0x0], $0xffff  }
0xb9: {  	v15 =	vand.u32 $0x4F, v18;
	v26 =	vtrunc.f32 v26;
	v24 =	vtrunc.f32 v24;
	v37 =	vld.idx.msk [tilespmem:v25+s17+$0x0], $0xffff  }
0xba: {  	v18 =	vand.u32 $0x5F, v27;
	v27 =	vcvt.f32.s32 v36;
	v26 =	vcvt.f32.s32 v26;
	v38 =	vld.idx.msk [tilespmem:v13+s17+$0x0], $0xffff  }
0xbb: {  	v36 =	vld.idx.msk [tilespmem:v16+s19+$0x0], $0xffff;
	v16 =	vand.u32 $0x6F, v35;
	v35 =	vcvt.f32.s32 v24  }
0xbc: {  	v40 =	vshll.u32 v27, $0x9;
	v41 =	vshll.u32 v26, $0x9;
	vm0 =	vlt.f32 v23, v21;
	v39 =	vld.idx.msk [tilespmem:v25+s19+$0x0], $0xffff  }
0xbd: {  	s2 =	sshll.u32 s30, $0x4;
	v24 =	vshll.u32 v28, $0x9;
	vm1 =	vgt.f32 v23, v22;
	v42 =	vld.idx.msk [tilespmem:v13+s19+$0x0], $0xffff;
	v13 =	vsel vm0, $0xFFFFFE00, v0  }
0xbe: {  	v25 =	vor.u32 s2, v2;
	v24 =	vor.u32 s2, v24;
	v28 =	vsel vm1, $0x200, v13  }
0xbf: {  	vm0 =	vne.f32 v23, v21;
	vm1 =	vne.f32 v23, v22;
	v13 =	vld [tilespmem:s16+$0x2000];
	v21 =	vadd.s32 v28, v24  }
0xc0: {  	vm0 =	vmand vm0, vm1;
	v24 =	vand.u32 $0x7F, v25;
	v21 =	vand.u32 $0xFFFFFF80, v21;
	v22 =	vld.idx.msk [tilespmem:v27+s17+$0x0], $0xffff  }
0xc1: {  	vm2 =	vlt.f32 v19, v37;
	vm1 =	vlt.f32 v20, v34;
	v28 =	vor.u32 v24, v21;
	v21 =	vld.idx.msk [tilespmem:v26+s17+$0x0], $0xffff  }
0xc2: {  	vm3 =	vlt.f32 v14, v38;
	v43 =	vsel vm2, $0xFFFFFE00, v0;
	v25 =	vsel vm1, $0xFFFFFE00, v0;
	v24 =	vld.idx.msk [tilespmem:v35+s17+$0x0], $0xffff  }
0xc3: {  	v44 =	vsel vm3, $0xFFFFFE00, v0;
	vm1 =	vgt.f32 v20, v36;
	vm2 =	vgt.f32 v19, v39;
	v27 =	vld.idx.msk [tilespmem:v27+s19+$0x0], $0xffff  }
0xc4: {  	v45 =	vsel vm1, $0x200, v25;
	vm3 =	vgt.f32 v14, v42;
	vm1 =	veq.s32 v13, s30;
	v25 =	vld.idx.msk [tilespmem:v26+s19+$0x0], $0xffff  }
0xc5: {  	s21 =	sor.u32 $0x13, s15;
	v43 =	vsel vm2, $0x200, v43;
	v44 =	vsel vm3, $0x200, v44;
	v46 =	vsel vm1, $0x10001, v3;
	v26 =	vld.idx.msk [tilespmem:v35+s19+$0x0], $0xffff  }
0xc6: {  	s2 =	sshll.u32 s21, $0x7;
	v33 =	vadd.s32 v45, v33;
	v29 =	vadd.s32 v43, v29;
	vm2 =	veq.s32 v13, s15;
	[tilespmem:v28+s26+$0x0] =	vst.idx.add.s32.msk vm0, v46  }
0xc7: {  	s2 =	sor.u32 s16, s2;
	v33 =	vand.u32 $0xFFFFFF80, v33;
	v17 =	vadd.s32 v44, v17;
	v43 =	vand.u32 $0xFFFFFF80, v29;
	[tilespmem:v28+s28+$0x0] =	vst.idx.add.f32.msk vm0, v23  }
0xc8: {  	vm3 =	vne.f32 v20, v36;
	v23 =	vand.u32 $0xFFFFFE80, v17;
	vm0 =	vne.f32 v20, v34;
	v17 =	vld [tilespmem:s2+$0x0]  }
0xc9: {  	vm4 =	vne.f32 v19, v37;
	vm5 =	vne.f32 v19, v39;
	vm1 =	vne.f32 v14, v38  }
0xca: {  	vm6 =	vne.f32 v14, v42;
	vm7 =	veq.s32 v13, s12;
	vm8 =	veq.s32 v13, s14  }
0xcb: {  	v29 =	vor.u32 v31, v23;
	v23 =	vor.u32 v30, v33;
	v31 =	vor.u32 v32, v43  }
0xcc: {  	vm1 =	vmand vm1, vm6;
	vm3 =	vmand vm0, vm3;
	vm0 =	vmand vm4, vm5  }
0xcd: {  	v30 =	vsel vm2, $0x10001, v3;
	v32 =	vsel vm7, $0x10001, v3;
	v28 =	vmul.f32 $1.500000000e+01, v17  }
0xce: {  	v33 =	vsel vm8, $0x10001, v3;
	vm2 =	vlt.f32 v12, v22;
	vm4 =	vlt.f32 v11, v21  }
0xcf: {  	vm5 =	vlt.f32 v10, v24;
	v34 =	vsel vm2, $0xFFFFFE00, v0;
	v28 =	vtrunc.f32 v28  }
0xd0: {  	v36 =	vsel vm5, $0xFFFFFE00, v0;
	v37 =	vsel vm4, $0xFFFFFE00, v0;
	v28 =	vcvt.f32.s32 v28  }
.Ltmp6:
0xd1: {  	vm4 =	vgt.f32 v12, v27;
	vm5 =	vgt.f32 v11, v25;
	vm2 =	vgt.f32 v10, v26;
	(pc) =	sbr.rel @p0 .LBB2_6-.Ltmp6, $4  }
0xd2: {  	v34 =	vsel vm4, $0x200, v34;
	[tilespmem:v23+s26+$0x0] =	vst.idx.add.s32.msk vm3, v32;
	v32 =	vshll.u32 v35, $0x9;
	v35 =	vsel vm5, $0x200, v37  }
0xd3: {  	[tilespmem:v23+s28+$0x0] =	vst.idx.add.f32.msk vm3, v20;
	v20 =	vsel vm2, $0x200, v36;
	v23 =	vor.u32 s23, v40;
	v36 =	vor.u32 s24, v41;
	s23 =	smov.u32 s18;
	s24 =	smov.u32 s1  }
0xd4: {  	v32 =	vor.u32 s22, v32;
	s22 =	smov.u32 s5;
	[tilespmem:v31+s26+$0x0] =	vst.idx.add.s32.msk vm0, v33;
	v33 =	vadd.s32 v34, v23;
	v34 =	vadd.s32 v35, v36  }
0xd5: {  	v23 =	vadd.s32 v20, v32;
	[tilespmem:v31+s28+$0x0] =	vst.idx.add.f32.msk vm0, v19;
	v19 =	vand.u32 $0xFFFFFF80, v33;
	v20 =	vand.u32 $0xFFFFFF80, v34  }
0xd6: {  	v42 =	vld [tilespmem:s11+$0x0]  }
0xd7: {  	v43 =	vld [tilespmem:s9+$0x0];
	_ =	sdelay $0x3  }
0xd8: {  	[tilespmem:v29+s26+$0x0] =	vst.idx.add.s32.msk vm1, v30;
	v31 =	vmul.f32 $1.500000000e+01, v42  }
0xd9: {  	[tilespmem:v29+s28+$0x0] =	vst.idx.add.f32.msk vm1, v14;
	v32 =	vmul.f32 $1.500000000e+01, v43  }
0xda: {  	v30 =	vld [tilespmem:s10+$0x0];
	v31 =	vtrunc.f32 v31  }
0xdb: {  	vm0 =	vne.f32 v12, v22;
	v32 =	vtrunc.f32 v32;
	v31 =	vcvt.f32.s32 v31  }
0xdc: {  	v34 =	vld.idx.msk [tilespmem:v28+s17+$0x0], $0xffff;
	vm12 =	vne.f32 v12, v27;
	vm4 =	vne.f32 v10, v24;
	v32 =	vcvt.f32.s32 v32  }
0xdd: {  	v44 =	vld.idx.msk [tilespmem:v28+s19+$0x0], $0xffff;
	v23 =	vand.u32 $0xFFFFFF80, v23;
	vm2 =	vne.f32 v11, v21;
	vm5 =	vne.f32 v11, v25  }
0xde: {  	vm6 =	vne.f32 v10, v26;
	v5 =	vor.u32 v5, v19;
	v7 =	vor.u32 v7, v20  }
0xdf: {  	v48 =	vshll.u32 v28, $0x9;
	vm9 =	veq.s32 v13, s21;
	v33 =	vmul.f32 $1.500000000e+01, v30  }
0xe0: {  	v4 =	vor.u32 v4, v23;
	vm3 =	vmand vm0, vm12;
	vm2 =	vmand vm2, vm5  }
0xe1: {  	vm0 =	vmand vm4, vm6;
	vm13 =	vlt.f32 v17, v34;
	v33 =	vtrunc.f32 v33;
	v45 =	vld.idx.msk [tilespmem:v31+s17+$0x0], $0xffff  }
0xe2: {  	s1 =	sshll.u32 s21, $0x4;
	vm14 =	vgt.f32 v17, v44;
	v47 =	vsel vm13, $0xFFFFFE00, v0;
	v33 =	vcvt.f32.s32 v33;
	v46 =	vld.idx.msk [tilespmem:v32+s17+$0x0], $0xffff  }
0xe3: {  	v50 =	vor.u32 s1, v2;
	v23 =	vor.u32 s1, v48;
	v21 =	vsel vm14, $0x200, v47;
	v51 =	vld.idx.msk [tilespmem:v31+s19+$0x0], $0xffff  }
0xe4: {  	v54 =	vsel vm9, $0x10001, v3;
	v25 =	vand.u32 $0x7F, v50;
	v21 =	vadd.s32 v21, v23;
	v52 =	vld.idx.msk [tilespmem:v32+s19+$0x0], $0xffff  }
0xe5: {  	vm15 =	vne.f32 v17, v34;
	vm8 =	vne.f32 v17, v44;
	v21 =	vand.u32 $0xFFFFFF80, v21  }
0xe6: {  	vm1 =	vmand vm15, vm8;
	v21 =	vor.u32 v25, v21;
	v55 =	vshll.u32 v31, $0x9  }
0xe7: {  	[tilespmem:v7+s26+$0x0] =	vst.idx.add.s32.msk vm2, v8;
	v58 =	vshll.u32 v32, $0x9;
	v60 =	vor.u32 s23, v55;
	v59 =	vshll.u32 v33, $0x9  }
0xe8: {  	v8 =	vor.u32 s24, v58;
	v61 =	vor.u32 s22, v59;
	v49 =	vld.idx.msk [tilespmem:v33+s17+$0x0], $0xffff;
	vm10 =	vlt.f32 v42, v45  }
0xe9: {  	v53 =	vld.idx.msk [tilespmem:v33+s19+$0x0], $0xffff;
	vm11 =	vlt.f32 v43, v46;
	vm13 =	vgt.f32 v42, v51;
	vm14 =	vgt.f32 v43, v52  }
0xea: {  	vm6 =	vne.f32 v42, v45;
	vm7 =	vne.f32 v42, v51;
	v56 =	vsel vm10, $0xFFFFFE00, v0  }
0xeb: {  	[tilespmem:v5+s26+$0x0] =	vst.idx.add.s32.msk vm3, v9;
	vm8 =	vne.f32 v43, v46;
	vm9 =	vne.f32 v43, v52;
	v28 =	vsel vm13, $0x200, v56  }
0xec: {  	[tilespmem:v7+s28+$0x0] =	vst.idx.add.f32.msk vm2, v11;
	v57 =	vsel vm11, $0xFFFFFE00, v0;
	vm2 =	vmand vm6, vm7;
	v7 =	vadd.s32 v28, v60  }
0xed: {  	[tilespmem:v5+s28+$0x0] =	vst.idx.add.f32.msk vm3, v12;
	vm3 =	vmand vm8, vm9;
	vm12 =	vlt.f32 v30, v49;
	v7 =	vand.u32 $0xFFFFFF80, v7  }
0xee: {  	v9 =	vsel vm14, $0x200, v57;
	vm15 =	vgt.f32 v30, v53;
	v7 =	vor.u32 v18, v7  }
0xef: {  	[tilespmem:v4+s26+$0x0] =	vst.idx.add.s32.msk vm0, v6;
	vm10 =	vne.f32 v30, v49;
	v5 =	vsel vm12, $0xFFFFFE00, v0;
	v62 =	vadd.s32 v9, v8  }
0xf0: {  	[tilespmem:v4+s28+$0x0] =	vst.idx.add.f32.msk vm0, v10;
	vm11 =	vne.f32 v30, v53;
	v5 =	vsel vm15, $0x200, v5;
	v6 =	vand.u32 $0xFFFFFF80, v62  }
0xf1: {  	[tilespmem:v21+s26+$0x0] =	vst.idx.add.s32.msk vm1, v54;
	vm12 =	veq.s32 v13, s20;
	v5 =	vadd.s32 v5, v61;
	v6 =	vor.u32 v16, v6  }
0xf2: {  	[tilespmem:v21+s28+$0x0] =	vst.idx.add.f32.msk vm1, v17;
	vm13 =	vmand vm10, vm11;
	v63 =	vsel vm12, $0x10001, v3;
	v5 =	vand.u32 $0xFFFFFF80, v5  }
0xf3: {  	v4 =	vor.u32 v15, v5;
	[tilespmem:v7+s26+$0x0] =	vst.idx.add.s32.msk vm2, v63  }
0xf4: {  	s1 =	sadd.s32 $0x2, s0;
	vm14 =	veq.s32 v13, s6;
	[tilespmem:v7+s28+$0x0] =	vst.idx.add.f32.msk vm2, v42  }
0xf5: {  	p0 =	sge.u32 s1, s8;
	v5 =	vsel vm14, $0x10001, v3;
	s2 =	rddreg [dreg:$0x6]  }
0xf6: {  	vm15 =	veq.s32 v13, s4;
	[tilespmem:v6+s26+$0x0] =	vst.idx.add.s32.msk vm3, v5;
	s1 =	sadd.s32 @!p0 s2, s1  }
0xf7: {  	s3 =	rddreg [dreg:$0x0];
	v5 =	vsel vm15, $0x10001, v3;
	[tilespmem:v6+s28+$0x0] =	vst.idx.add.f32.msk vm3, v43;
	s2 =	sshll.u32 @!p0 s1, $0x7  }
0xf8: {  	s5 =	simm.s32 @!p0 $0x0;
	s4 =	simm.s32 @!p0 $0x7A1400;
	[tilespmem:v4+s26+$0x0] =	vst.idx.add.s32.msk vm13, v5;
	s2 =	sand.u32 @!p0 $0x1FFFFF80, s2  }
0xf9: {  	[tilespmem:v4+s28+$0x0] =	vst.idx.add.f32.msk vm13, v30;
	s1 =	sshll.u32 @!p0 s1, $0x4;
	s2 =	sadd.s32 @!p0 s3, s2;
	s3 =	simm.s32 @!p0 $0x400  }
0xfa: {  	[tilespmem:s5], [sflag:$0x1] =	stream.strided.gather @!p0 [hbm4b:s2+s3], $0x1000, s4, s3, $0x38;
	[tilespmem:$0x5E00] =	vst v63  }
0xfb: {  	s1 =	sand.u32 @!p0 $0x1FFFFFF0, s1;
	s2 =	rddreg [dreg:$0x1]  }
0xfc: {  	s1 =	sadd.s32 @!p0 s2, s1;
	s2 =	simm.s32 @!p0 $0x2000  }
0xfd: {  	[tilespmem:s2], [sflag:$0x1] =	stream.linear.gather @!p0 [hbm4b:s1+s5], $0x80, $0x38;
	[tilespmem:$0x5E00] =	vst v63  }
.LBB2_8:
0xfe: {  	s1 =	rddreg [dreg:$0xb]  }
0xff: {  	p0 =	sge.u32 s0, s1  }
.Ltmp7:
0x100: {  	_ = 	snop;
	(pc) =	sbr.rel @p0 .LBB2_12-.Ltmp7, $1  }
0x101: {  	_ =	sdelay $0x3  }
0x102: {  	_ =	swait.ge [sflag:s29], $0x1000  }
0x103: {  	s2 =	simm.s32 $0x0;
	[sflag:s29] =	ssyncset.done $0x0  }
0x104: {  	s1 =	sand.u32 $0xC, s2;
	[sflag:s29] =	ssyncadd.s32 $0xFFFFF000  }
0x105: {  	s3 =	sor.u32 $0x3, s1;
	_ =	swait.ge [sflag:s29], $0x80  }
0x106: {  	s4 =	sand.u32 $0x70, s2;
	s14 =	sshll.u32 s3, $0x7;
	[sflag:s29] =	ssyncset.done $0x0  }
0x107: {  	s2 =	sor.u32 s4, s14;
	[sflag:s29] =	ssyncadd.s32 $0xFFFFFF80  }
0x108: {  	v4 =	vld [tilespmem:s2+$0x1000];
	_ =	sdelay $0x4  }
0x109: {  	v5 =	vmul.f32 $1.500000000e+01, v4;
	_ =	sdelay $0x1  }
0x10a: {  	s7 =	sshll.u32 s1, $0x7;
	v5 =	vtrunc.f32 v5  }
0x10b: {  	s12 =	sor.u32 $0x2, s1;
	s16 =	sor.u32 s4, s7;
	v5 =	vcvt.f32.s32 v5  }
0x10c: {  	s5 =	sor.u32 $0x1, s1;
	s6 =	sshll.u32 s12, $0x7;
	v10 =	vld [tilespmem:s16+$0x1000]  }
0x10d: {  	s15 =	sshll.u32 s5, $0x7;
	s6 =	sor.u32 s4, s6  }
0x10e: {  	s2 =	sor.u32 s4, s15;
	v11 =	vld [tilespmem:s6+$0x1000]  }
0x10f: {  	v12 =	vld [tilespmem:s2+$0x1000];
	_ =	sdelay $0x1  }
0x110: {  	v13 =	vmul.f32 $1.500000000e+01, v10;
	v6 =	vld.idx.msk [tilespmem:v5+s17+$0x0], $0xffff  }
0x111: {  	v9 =	vld.idx.msk [tilespmem:v5+s19+$0x0], $0xffff  }
0x112: {  	v8 =	vmul.f32 $1.500000000e+01, v11;
	v13 =	vtrunc.f32 v13  }
0x113: {  	s18 =	sshll.u32 s3, $0x4;
	v7 =	vmul.f32 $1.500000000e+01, v12;
	v14 =	vcvt.f32.s32 v13  }
0x114: {  	v15 =	vor.u32 s18, v2;
	v8 =	vtrunc.f32 v8  }
0x115: {  	v7 =	vtrunc.f32 v7;
	v8 =	vcvt.f32.s32 v8;
	vm0 =	vlt.f32 v4, v6  }
0x116: {  	v5 =	vshll.u32 v5, $0x9;
	vm1 =	vgt.f32 v4, v9;
	v13 =	vsel vm0, $0xFFFFFE00, v0  }
0x117: {  	v7 =	vcvt.f32.s32 v7;
	v5 =	vor.u32 s18, v5;
	v16 =	vsel vm1, $0x200, v13  }
0x118: {  	vm0 =	vne.f32 v4, v6;
	v13 =	vld [tilespmem:s4+$0x2080];
	vm1 =	vne.f32 v4, v9;
	v5 =	vadd.s32 v16, v5  }
0x119: {  	v6 =	vand.u32 $0x7F, v15;
	v15 =	vld.idx.msk [tilespmem:v14+s17+$0x0], $0xffff;
	vm0 =	vmand vm0, vm1;
	v5 =	vand.u32 $0xFFFFFF80, v5  }
0x11a: {  	v5 =	vor.u32 v6, v5  }
0x11b: {  	v9 =	vld.idx.msk [tilespmem:v8+s17+$0x0], $0xffff  }
0x11c: {  	s22 =	sshll.u32 s1, $0x4;
	s20 =	sshll.u32 s5, $0x4  }
0x11d: {  	v18 =	vor.u32 s22, v2;
	v17 =	vor.u32 s20, v2;
	v21 =	vld.idx.msk [tilespmem:v7+s19+$0x0], $0xffff;
	vm1 =	veq.s32 v13, s3  }
0x11e: {  	s14 =	sor.u32 $0x13, s1;
	v18 =	vand.u32 $0x4F, v18;
	v6 =	vld.idx.msk [tilespmem:v7+s17+$0x0], $0xffff;
	vm2 =	vlt.f32 v10, v15;
	v16 =	vsel vm1, $0x10001, v3  }
0x11f: {  	s23 =	sshll.u32 s14, $0x7;
	v17 =	vand.u32 $0x5F, v17;
	v27 =	vsel vm2, $0xFFFFFE00, v0;
	vm3 =	veq.s32 v13, s1;
	[tilespmem:v5+s26+$0x0] =	vst.idx.add.s32.msk vm0, v16  }
0x120: {  	s9 =	sor.u32 s4, s23;
	s15 =	sor.u32 $0x12, s1;
	s18 =	sor.u32 $0x11, s1;
	vm4 =	vne.f32 v11, v9;
	vm7 =	veq.s32 v13, s5;
	vm8 =	veq.s32 v13, s12;
	[tilespmem:v5+s28+$0x0] =	vst.idx.add.f32.msk vm0, v4  }
0x121: {  	vm12 =	veq.s32 v13, s18;
	vm13 =	veq.s32 v13, s15;
	v4 =	vshll.u32 v7, $0x9;
	v19 =	vld [tilespmem:s9+$0x1000]  }
0x122: {  	vm1 =	vlt.f32 v11, v9;
	v20 =	vor.u32 s20, v4;
	v4 =	vshll.u32 v8, $0x9;
	v8 =	vld.idx.msk [tilespmem:v8+s19+$0x0], $0xffff  }
0x123: {  	s21 =	sshll.u32 s12, $0x4;
	v9 =	vsel vm12, $0x10001, v3;
	v5 =	vshll.u32 v14, $0x9;
	v14 =	vld.idx.msk [tilespmem:v14+s19+$0x0], $0xffff;
	vm0 =	vlt.f32 v12, v6  }
0x124: {  	v16 =	vor.u32 s21, v2;
	v25 =	vsel vm0, $0xFFFFFE00, v0;
	vm0 =	vgt.f32 v12, v21  }
0x125: {  	v26 =	vsel vm1, $0xFFFFFE00, v0;
	v16 =	vand.u32 $0x6F, v16;
	v25 =	vsel vm0, $0x200, v25  }
0x126: {  	v23 =	vor.u32 s21, v4;
	vm0 =	vne.f32 v12, v6;
	v20 =	vadd.s32 v25, v20  }
0x127: {  	s3 =	simm.s32 $0x4;
	v20 =	vand.u32 $0xFFFFFF80, v20;
	v24 =	vmul.f32 $1.500000000e+01, v19;
	vm1 =	vgt.f32 v11, v8  }
0x128: {  	s6 =	sor.u32 $0x10, s1;
	s1 =	sand.u32 $0xC, s3;
	vm2 =	vgt.f32 v10, v14;
	v26 =	vsel vm1, $0x200, v26;
	vm1 =	vne.f32 v12, v21  }
0x129: {  	s16 =	sor.u32 $0x3, s1;
	vm6 =	vne.f32 v10, v14;
	v24 =	vtrunc.f32 v24;
	vm0 =	vmand vm0, vm1  }
0x12a: {  	s12 =	sand.u32 $0x70, s3;
	s24 =	sshll.u32 s16, $0x7;
	v27 =	vsel vm2, $0x200, v27;
	v21 =	vor.u32 v17, v20;
	v24 =	vcvt.f32.s32 v24  }
0x12b: {  	s2 =	sor.u32 s12, s24;
	s20 =	sshll.u32 s1, $0x7;
	s21 =	sor.u32 $0x1, s1;
	vm2 =	vne.f32 v10, v15;
	vm5 =	vne.f32 v11, v8;
	v23 =	vadd.s32 v26, v23  }
0x12c: {  	s11 =	sshll.u32 s15, $0x4;
	s25 =	sshll.u32 s21, $0x7;
	v17 =	vld [tilespmem:s2+$0x1000];
	s2 =	sor.u32 s12, s20;
	vm1 =	vmand vm2, vm6;
	vm2 =	vmand vm4, vm5;
	v23 =	vand.u32 $0xFFFFFF80, v23  }
0x12d: {  	s10 =	sshll.u32 s18, $0x4;
	v7 =	vor.u32 s11, v2;
	v22 =	vor.u32 s22, v5;
	s7 =	sor.u32 s12, s25;
	v14 =	vld [tilespmem:s2+$0x1000];
	v16 =	vor.u32 v16, v23  }
0x12e: {  	s24 =	sshll.u32 s15, $0x7;
	s15 =	sshll.u32 s16, $0x4;
	v5 =	vor.u32 s10, v2;
	v8 =	vsel vm7, $0x10001, v3;
	v22 =	vadd.s32 v27, v22;
	v23 =	vld [tilespmem:s7+$0x1000]  }
0x12f: {  	s30 =	sshll.u32 s14, $0x4;
	s9 =	sshll.u32 s6, $0x4;
	v7 =	vand.u32 $0x6F, v7;
	v34 =	vor.u32 s15, v2;
	v22 =	vand.u32 $0xFFFFFE80, v22;
	[tilespmem:v21+s26+$0x0] =	vst.idx.add.s32.msk vm0, v8  }
0x130: {  	s23 =	sshll.u32 s18, $0x7;
	s5 =	sor.u32 $0x2, s1;
	v4 =	vor.u32 s9, v2;
	v5 =	vand.u32 $0x5F, v5;
	s20 =	sor.u32 $0x11, s1;
	v15 =	vor.u32 v18, v22;
	v18 =	vld.idx.msk [tilespmem:v24+s17+$0x0], $0xffff  }
0x131: {  	v25 =	vsel vm3, $0x10001, v3;
	vm3 =	veq.s32 v13, s6;
	s6 =	sshll.u32 s6, $0x7;
	v26 =	vsel vm8, $0x10001, v3;
	s2 =	sor.u32 s4, s23;
	s23 =	sshll.u32 s20, $0x4;
	v22 =	vld.idx.msk [tilespmem:v24+s19+$0x0], $0xffff  }
0x132: {  	v4 =	vand.u32 $0x4F, v4;
	v38 =	vor.u32 s23, v2;
	s7 =	sor.u32 s4, s24;
	s4 =	sor.u32 s4, s6;
	s6 =	sor.u32 $0x12, s1;
	v6 =	vshll.u32 v24, $0x9;
	[tilespmem:v16+s26+$0x0] =	vst.idx.add.s32.msk vm2, v26  }
0x133: {  	s13 =	sshll.u32 s5, $0x7;
	s24 =	sshll.u32 s6, $0x4;
	v27 =	vor.u32 s30, v6;
	v6 =	vsel vm3, $0x10001, v3;
	[tilespmem:v16+s28+$0x0] =	vst.idx.add.f32.msk vm2, v11;
	v16 =	vmul.f32 $1.500000000e+01, v23  }
0x134: {  	s22 =	sor.u32 s12, s13;
	v39 =	vor.u32 s24, v2;
	v8 =	vsel vm13, $0x10001, v3;
	[tilespmem:v21+s28+$0x0] =	vst.idx.add.f32.msk vm0, v12;
	v12 =	vmul.f32 $1.500000000e+01, v17  }
0x135: {  	v20 =	vld [tilespmem:s22+$0x1000];
	v24 =	vor.u32 s30, v2;
	vm2 =	veq.s32 v13, s14;
	v16 =	vtrunc.f32 v16  }
0x136: {  	[tilespmem:v15+s26+$0x0] =	vst.idx.add.s32.msk vm1, v25;
	s14 =	sshll.u32 s1, $0x4;
	v11 =	vtrunc.f32 v12;
	v16 =	vcvt.f32.s32 v16;
	vm14 =	vlt.f32 v19, v18  }
0x137: {  	[tilespmem:v15+s28+$0x0] =	vst.idx.add.f32.msk vm1, v10;
	v15 =	vor.u32 s14, v2;
	vm3 =	vgt.f32 v19, v22;
	v28 =	vsel vm14, $0xFFFFFE00, v0  }
0x138: {  	v31 =	vsel vm2, $0x10001, v3;
	vm0 =	vne.f32 v19, v18;
	v28 =	vsel vm3, $0x200, v28  }
0x139: {  	v18 =	vand.u32 $0x7F, v24;
	vm3 =	vne.f32 v19, v22;
	v21 =	vadd.s32 v28, v27  }
0x13a: {  	s25 =	sshll.u32 s21, $0x4;
	v12 =	vld [tilespmem:s2+$0x1000];
	v22 =	vcvt.f32.s32 v11;
	v13 =	vand.u32 $0xFFFFFF80, v21;
	v21 =	vmul.f32 $1.500000000e+01, v20  }
0x13b: {  	v24 =	vor.u32 s25, v2;
	v11 =	vld [tilespmem:s7+$0x1000];
	v28 =	vor.u32 v18, v13;
	v13 =	vmul.f32 $1.500000000e+01, v14  }
0x13c: {  	v29 =	vand.u32 $0x4F, v15;
	v26 =	vand.u32 $0x5F, v24;
	v40 =	vld.idx.msk [tilespmem:v16+s17+$0x0], $0xffff;
	v21 =	vtrunc.f32 v21  }
0x13d: {  	s30 =	sshll.u32 s5, $0x4;
	v15 =	vshll.u32 v16, $0x9;
	v49 =	vld.idx.msk [tilespmem:v16+s19+$0x0], $0xffff;
	v10 =	vtrunc.f32 v13;
	v21 =	vcvt.f32.s32 v21  }
0x13e: {  	v24 =	vor.u32 s25, v15;
	v18 =	vor.u32 s30, v2;
	v13 =	vld [tilespmem:s12+$0x2080];
	v25 =	vcvt.f32.s32 v10  }
0x13f: {  	vm0 =	vmand vm0, vm3;
	v30 =	vand.u32 $0x6F, v18;
	v10 =	vld [tilespmem:s4+$0x1000];
	v15 =	vshll.u32 v21, $0x9  }
0x140: {  	v37 =	vmul.f32 $1.500000000e+01, v11;
	v27 =	vld.idx.msk [tilespmem:v22+s17+$0x0], $0xffff;
	s4 =	sor.u32 $0x10, s1;
	v18 =	vshll.u32 v25, $0x9;
	v33 =	vor.u32 s30, v15  }
0x141: {  	s22 =	sshll.u32 s4, $0x4;
	v15 =	vmul.f32 $1.500000000e+01, v12;
	v32 =	vor.u32 s14, v18;
	v18 =	vld.idx.msk [tilespmem:v22+s19+$0x0], $0xffff;
	v22 =	vshll.u32 v22, $0x9  }
0x142: {  	v35 =	vor.u32 s22, v2;
	vm5 =	vne.f32 v23, v40;
	v22 =	vor.u32 s15, v22  }
0x143: {  	vm1 =	veq.s32 v13, s16;
	vm2 =	veq.s32 v13, s21;
	v41 =	vtrunc.f32 v15  }
0x144: {  	v15 =	vand.u32 $0x4F, v35;
	vm4 =	veq.s32 v13, s5;
	v36 =	vmul.f32 $1.500000000e+01, v10  }
0x145: {  	vm3 =	vlt.f32 v17, v27;
	v53 =	vsel vm1, $0x10001, v3;
	vm1 =	vgt.f32 v23, v49  }
0x146: {  	v48 =	vld.idx.msk [tilespmem:v21+s17+$0x0], $0xffff;
	v58 =	vsel vm2, $0x10001, v3;
	v42 =	vsel vm3, $0xFFFFFE00, v0;
	vm15 =	vgt.f32 v17, v18  }
0x147: {  	v50 =	vld.idx.msk [tilespmem:v21+s19+$0x0], $0xffff;
	vm3 =	vne.f32 v17, v27;
	v27 =	vcvt.f32.s32 v41;
	v42 =	vsel vm15, $0x200, v42  }
0x148: {  	v36 =	vtrunc.f32 v36;
	vm8 =	vne.f32 v17, v18;
	v18 =	vadd.s32 v42, v22  }
0x149: {  	v43 =	vld.idx.msk [tilespmem:v25+s17+$0x0], $0xffff;
	vm9 =	vmand vm3, vm8;
	v16 =	vand.u32 $0xFFFFFF80, v18;
	v18 =	vand.u32 $0x7F, v34  }
0x14a: {  	v60 =	vsel vm4, $0x10001, v3;
	v25 =	vld.idx.msk [tilespmem:v25+s19+$0x0], $0xffff;
	v36 =	vcvt.f32.s32 v36;
	v21 =	vor.u32 v18, v16  }
0x14b: {  	v51 =	vshll.u32 v27, $0x9;
	vm3 =	vlt.f32 v23, v40;
	vm15 =	vne.f32 v23, v49  }
0x14c: {  	v22 =	vtrunc.f32 v37;
	vm10 =	vlt.f32 v20, v48;
	vm12 =	vgt.f32 v20, v50  }
0x14d: {  	vm7 =	vmand vm5, vm15;
	v62 =	vshll.u32 v36, $0x9;
	v37 =	vcvt.f32.s32 v22  }
0x14e: {  	s21 =	sor.u32 $0x13, s1;
	vm11 =	vlt.f32 v14, v43;
	v22 =	vsel vm3, $0xFFFFFE00, v0;
	v52 =	vsel vm10, $0xFFFFFE00, v0  }
0x14f: {  	vm3 =	veq.s32 v13, s1;
	s1 =	sshll.u32 s21, $0x7;
	vm13 =	vgt.f32 v14, v25;
	vm14 =	vne.f32 v14, v25;
	[tilespmem:v21+s26+$0x0] =	vst.idx.add.s32.msk vm9, v53  }
0x150: {  	v34 =	vor.u32 s9, v62;
	v18 =	vand.u32 $0x5F, v38;
	v16 =	vand.u32 $0x6F, v39;
	s1 =	sor.u32 s12, s1;
	[tilespmem:v21+s28+$0x0] =	vst.idx.add.f32.msk vm9, v17  }
0x151: {  	v44 =	vsel vm11, $0xFFFFFE00, v0;
	v39 =	vsel vm12, $0x200, v52;
	vm12 =	vne.f32 v20, v48;
	v17 =	vld [tilespmem:s1+$0x1000]  }
0x152: {  	v54 =	vsel vm13, $0x200, v44;
	v55 =	vshll.u32 v37, $0x9;
	v21 =	vsel vm1, $0x200, v22;
	v22 =	vld.idx.msk [tilespmem:v27+s17+$0x0], $0xffff  }
0x153: {  	v33 =	vadd.s32 v39, v33;
	vm13 =	vne.f32 v20, v50;
	v32 =	vadd.s32 v54, v32;
	v27 =	vld.idx.msk [tilespmem:v27+s19+$0x0], $0xffff  }
0x154: {  	v33 =	vand.u32 $0xFFFFFF80, v33;
	v63 =	vor.u32 s11, v55;
	v24 =	vadd.s32 v21, v24;
	v21 =	vld.idx.msk [tilespmem:v37+s17+$0x0], $0xffff  }
0x155: {  	v32 =	vand.u32 $0xFFFFFE80, v32;
	v33 =	vor.u32 v30, v33;
	v56 =	vand.u32 $0xFFFFFF80, v24;
	v24 =	vld.idx.msk [tilespmem:v36+s17+$0x0], $0xffff  }
0x156: {  	v25 =	vld.idx.msk [tilespmem:v37+s19+$0x0], $0xffff;
	vm1 =	vne.f32 v14, v43;
	v57 =	vor.u32 v26, v56;
	v59 =	vmul.f32 $1.500000000e+01, v17  }
0x157: {  	v30 =	vsel vm3, $0x10001, v3;
	vm1 =	vmand vm1, vm14;
	vm14 =	vmand vm12, vm13;
	v26 =	vld.idx.msk [tilespmem:v36+s19+$0x0], $0xffff  }
0x158: {  	[tilespmem:v28+s26+$0x0] =	vst.idx.add.s32.msk vm0, v31;
	v29 =	vor.u32 v29, v32;
	vm2 =	vlt.f32 v12, v22;
	v31 =	vtrunc.f32 v59  }
0x159: {  	[tilespmem:v28+s28+$0x0] =	vst.idx.add.f32.msk vm0, v19;
	v61 =	vsel vm2, $0xFFFFFE00, v0;
	vm2 =	vgt.f32 v12, v27;
	v28 =	vcvt.f32.s32 v31  }
0x15a: {  	vm3 =	vlt.f32 v11, v21;
	vm15 =	vlt.f32 v10, v24;
	v35 =	vsel vm2, $0x200, v61  }
0x15b: {  	v19 =	vsel vm15, $0xFFFFFE00, v0;
	[tilespmem:v57+s26+$0x0] =	vst.idx.add.s32.msk vm7, v58;
	v31 =	vsel vm3, $0xFFFFFE00, v0;
	vm3 =	vgt.f32 v11, v25  }
0x15c: {  	vm0 =	vgt.f32 v10, v26;
	[tilespmem:v57+s28+$0x0] =	vst.idx.add.f32.msk vm7, v23;
	v23 =	vor.u32 s10, v51;
	v31 =	vsel vm3, $0x200, v31  }
0x15d: {  	s25 =	sshll.u32 s20, $0x7;
	s18 =	sshll.u32 s4, $0x7;
	s30 =	sshll.u32 s6, $0x7;
	[tilespmem:v33+s26+$0x0] =	vst.idx.add.s32.msk vm14, v60;
	v19 =	vsel vm0, $0x200, v19;
	v35 =	vadd.s32 v35, v23;
	v31 =	vadd.s32 v31, v63  }
0x15e: {  	s9 =	sor.u32 s12, s30;
	s11 =	sor.u32 s12, s25;
	[tilespmem:v33+s28+$0x0] =	vst.idx.add.f32.msk vm14, v20;
	s10 =	sor.u32 s12, s18;
	v23 =	vadd.s32 v19, v34;
	v19 =	vand.u32 $0xFFFFFF80, v35;
	v20 =	vand.u32 $0xFFFFFF80, v31  }
.LBB2_10:
0x15f: {  	s3 =	sadd.s32 $0x4, s3;
	v31 =	vld.idx.msk [tilespmem:v28+s17+$0x0], $0xffff;
	v23 =	vand.u32 $0xFFFFFF80, v23;
	vm2 =	vne.f32 v12, v22;
	vm3 =	vne.f32 v12, v27  }
0x160: {  	vm0 =	vne.f32 v10, v24;
	vm4 =	vne.f32 v11, v21;
	vm5 =	vne.f32 v11, v25;
	s15 =	sand.u32 $0xC, s3;
	v22 =	vld.idx.msk [tilespmem:v28+s19+$0x0], $0xffff  }
0x161: {  	vm6 =	veq.s32 v13, s4;
	vm7 =	veq.s32 v13, s20;
	vm8 =	vne.f32 v10, v26;
	s12 =	sor.u32 $0x1, s15;
	s14 =	sor.u32 $0x2, s15;
	s30 =	sor.u32 $0x3, s15;
	[tilespmem:v29+s26+$0x0] =	vst.idx.add.s32.msk vm1, v30  }
0x162: {  	vm9 =	veq.s32 v13, s6;
	v21 =	vor.u32 v5, v19;
	v24 =	vor.u32 v7, v20;
	s5 =	sand.u32 $0x70, s3;
	s1 =	sshll.u32 s12, $0x7;
	s2 =	sshll.u32 s30, $0x7;
	[tilespmem:v29+s28+$0x0] =	vst.idx.add.f32.msk vm1, v14  }
0x163: {  	v5 =	vmovc v18;
	v26 =	vor.u32 v4, v23;
	vm2 =	vmand vm2, vm3;
	v4 =	vmovc v15;
	s4 =	sshll.u32 s15, $0x7;
	s6 =	sshll.u32 s14, $0x7;
	vm1 =	vmand vm4, vm5;
	s2 =	sor.u32 s5, s2;
	v25 =	vld [tilespmem:s11+$0x1000]  }
0x164: {  	v7 =	vmovc v16;
	v15 =	vsel vm6, $0x10001, v3;
	v18 =	vsel vm7, $0x10001, v3;
	vm0 =	vmand vm0, vm8;
	s1 =	sor.u32 s5, s1;
	s6 =	sor.u32 s5, s6;
	s11 =	sshll.u32 s21, $0x4;
	v23 =	vld [tilespmem:s2+$0x1000]  }
0x165: {  	v16 =	vsel vm9, $0x10001, v3;
	s16 =	sor.u32 s5, s4;
	s7 =	sshll.u32 s12, $0x4;
	s2 =	sshll.u32 s14, $0x4;
	v27 =	vor.u32 s11, v2;
	vm3 =	vlt.f32 v17, v31;
	v20 =	vld [tilespmem:s1+$0x1000]  }
0x166: {  	v28 =	vshll.u32 v28, $0x9;
	s13 =	sshll.u32 s15, $0x4;
	s20 =	sor.u32 $0x11, s15;
	s4 =	sor.u32 $0x10, s15;
	vm4 =	vgt.f32 v17, v22;
	v29 =	vsel vm3, $0xFFFFFE00, v0;
	v19 =	vld [tilespmem:s6+$0x1000]  }
0x167: {  	v28 =	vor.u32 s11, v28;
	s1 =	sshll.u32 s4, $0x7;
	v27 =	vand.u32 $0x7F, v27;
	s6 =	sor.u32 $0x12, s15;
	v29 =	vsel vm4, $0x200, v29;
	v14 =	vld [tilespmem:s16+$0x1000];
	s16 =	sshll.u32 s20, $0x7  }
0x168: {  	vm3 =	vne.f32 v17, v31;
	s25 =	sor.u32 s5, s1;
	vm4 =	vne.f32 v17, v22;
	s1 =	sshll.u32 s6, $0x7;
	v22 =	vadd.s32 v29, v28;
	s11 =	sor.u32 s5, s16;
	v30 =	vld [tilespmem:s9+$0x1000]  }
0x169: {  	s18 =	sshll.u32 s20, $0x4;
	vm3 =	vmand vm3, vm4;
	s16 =	sshll.u32 s4, $0x4;
	s9 =	sor.u32 s5, s1;
	v22 =	vand.u32 $0xFFFFFF80, v22;
	v28 =	vmul.f32 $1.500000000e+01, v23;
	v29 =	vld [tilespmem:s10+$0x1000]  }
0x16a: {  	p0 =	slt.u32 s3, $0x7C;
	v31 =	vor.u32 s7, v2;
	s1 =	sshll.u32 s6, $0x4;
	v22 =	vor.u32 v27, v22;
	s10 =	smov.u32 s25;
	v32 =	vmul.f32 $1.500000000e+01, v20;
	[tilespmem:v21+s26+$0x0] =	vst.idx.add.s32.msk vm2, v9;
	v9 =	vmovc v18  }
0x16b: {  	v18 =	vor.u32 s2, v2;
	v27 =	vmul.f32 $1.500000000e+01, v19;
	v28 =	vtrunc.f32 v28;
	[tilespmem:v21+s28+$0x0] =	vst.idx.add.f32.msk vm2, v12;
	v12 =	vmovc v25  }
0x16c: {  	v21 =	vor.u32 s13, v2;
	v25 =	vmul.f32 $1.500000000e+01, v14;
	v28 =	vcvt.f32.s32 v28;
	[tilespmem:v24+s26+$0x0] =	vst.idx.add.s32.msk vm1, v8;
	v8 =	vmovc v16  }
0x16d: {  	vm2 =	veq.s32 v13, s21;
	v16 =	vtrunc.f32 v32;
	v27 =	vtrunc.f32 v27;
	[tilespmem:v24+s28+$0x0] =	vst.idx.add.f32.msk vm1, v11;
	v11 =	vmovc v30  }
0x16e: {  	v16 =	vcvt.f32.s32 v16;
	v24 =	vsel vm2, $0x10001, v3;
	v13 =	vtrunc.f32 v25;
	[tilespmem:v26+s26+$0x0] =	vst.idx.add.s32.msk vm0, v6;
	v6 =	vmovc v15  }
0x16f: {  	v30 =	vand.u32 $0x5F, v31;
	v25 =	vcvt.f32.s32 v27;
	v13 =	vcvt.f32.s32 v13;
	[tilespmem:v22+s26+$0x0] =	vst.idx.add.s32.msk vm3, v24  }
0x170: {  	v32 =	vand.u32 $0x6F, v18;
	v31 =	vand.u32 $0x4F, v21;
	v15 =	vshll.u32 v16, $0x9;
	[tilespmem:v22+s28+$0x0] =	vst.idx.add.f32.msk vm3, v17  }
0x171: {  	v33 =	vor.u32 s7, v15;
	v15 =	vshll.u32 v25, $0x9;
	v17 =	vshll.u32 v13, $0x9;
	[tilespmem:v26+s28+$0x0] =	vst.idx.add.f32.msk vm0, v10;
	v10 =	vmovc v29  }
0x172: {  	v29 =	vor.u32 s2, v15;
	v15 =	vmul.f32 $1.500000000e+01, v12;
	v17 =	vor.u32 s13, v17;
	v21 =	vld.idx.msk [tilespmem:v28+s17+$0x0], $0xffff  }
0x173: {  	v18 =	vor.u32 s16, v2;
	v26 =	vmul.f32 $1.500000000e+01, v11;
	v24 =	vmul.f32 $1.500000000e+01, v10;
	v22 =	vld.idx.msk [tilespmem:v28+s19+$0x0], $0xffff  }
0x174: {  	v35 =	vor.u32 s1, v2;
	v27 =	vor.u32 s18, v2;
	v36 =	vtrunc.f32 v15;
	v34 =	vld.idx.msk [tilespmem:v16+s17+$0x0], $0xffff  }
0x175: {  	v15 =	vand.u32 $0x4F, v18;
	v26 =	vtrunc.f32 v26;
	v24 =	vtrunc.f32 v24;
	v37 =	vld.idx.msk [tilespmem:v25+s17+$0x0], $0xffff  }
0x176: {  	v18 =	vand.u32 $0x5F, v27;
	v27 =	vcvt.f32.s32 v36;
	v26 =	vcvt.f32.s32 v26;
	v38 =	vld.idx.msk [tilespmem:v13+s17+$0x0], $0xffff  }
0x177: {  	v36 =	vld.idx.msk [tilespmem:v16+s19+$0x0], $0xffff;
	v16 =	vand.u32 $0x6F, v35;
	v35 =	vcvt.f32.s32 v24  }
0x178: {  	v40 =	vshll.u32 v27, $0x9;
	v41 =	vshll.u32 v26, $0x9;
	vm0 =	vlt.f32 v23, v21;
	v39 =	vld.idx.msk [tilespmem:v25+s19+$0x0], $0xffff  }
0x179: {  	s2 =	sshll.u32 s30, $0x4;
	v24 =	vshll.u32 v28, $0x9;
	vm1 =	vgt.f32 v23, v22;
	v42 =	vld.idx.msk [tilespmem:v13+s19+$0x0], $0xffff;
	v13 =	vsel vm0, $0xFFFFFE00, v0  }
0x17a: {  	v25 =	vor.u32 s2, v2;
	v24 =	vor.u32 s2, v24;
	v28 =	vsel vm1, $0x200, v13  }
0x17b: {  	vm0 =	vne.f32 v23, v21;
	vm1 =	vne.f32 v23, v22;
	v13 =	vld [tilespmem:s5+$0x2080];
	v21 =	vadd.s32 v28, v24  }
0x17c: {  	vm0 =	vmand vm0, vm1;
	v24 =	vand.u32 $0x7F, v25;
	v21 =	vand.u32 $0xFFFFFF80, v21;
	v22 =	vld.idx.msk [tilespmem:v27+s17+$0x0], $0xffff  }
0x17d: {  	vm2 =	vlt.f32 v19, v37;
	vm1 =	vlt.f32 v20, v34;
	v28 =	vor.u32 v24, v21;
	v21 =	vld.idx.msk [tilespmem:v26+s17+$0x0], $0xffff  }
0x17e: {  	vm3 =	vlt.f32 v14, v38;
	v43 =	vsel vm2, $0xFFFFFE00, v0;
	v25 =	vsel vm1, $0xFFFFFE00, v0;
	v24 =	vld.idx.msk [tilespmem:v35+s17+$0x0], $0xffff  }
0x17f: {  	v44 =	vsel vm3, $0xFFFFFE00, v0;
	vm1 =	vgt.f32 v20, v36;
	vm2 =	vgt.f32 v19, v39;
	v27 =	vld.idx.msk [tilespmem:v27+s19+$0x0], $0xffff  }
0x180: {  	v45 =	vsel vm1, $0x200, v25;
	vm3 =	vgt.f32 v14, v42;
	vm1 =	veq.s32 v13, s30;
	v25 =	vld.idx.msk [tilespmem:v26+s19+$0x0], $0xffff  }
0x181: {  	s21 =	sor.u32 $0x13, s15;
	v43 =	vsel vm2, $0x200, v43;
	v44 =	vsel vm3, $0x200, v44;
	v46 =	vsel vm1, $0x10001, v3;
	v26 =	vld.idx.msk [tilespmem:v35+s19+$0x0], $0xffff  }
0x182: {  	s2 =	sshll.u32 s21, $0x7;
	v33 =	vadd.s32 v45, v33;
	v29 =	vadd.s32 v43, v29;
	vm2 =	veq.s32 v13, s15;
	[tilespmem:v28+s26+$0x0] =	vst.idx.add.s32.msk vm0, v46  }
0x183: {  	s2 =	sor.u32 s5, s2;
	v33 =	vand.u32 $0xFFFFFF80, v33;
	v17 =	vadd.s32 v44, v17;
	v43 =	vand.u32 $0xFFFFFF80, v29;
	[tilespmem:v28+s28+$0x0] =	vst.idx.add.f32.msk vm0, v23  }
0x184: {  	vm3 =	vne.f32 v20, v36;
	v23 =	vand.u32 $0xFFFFFE80, v17;
	vm0 =	vne.f32 v20, v34;
	v17 =	vld [tilespmem:s2+$0x1000]  }
0x185: {  	vm4 =	vne.f32 v19, v37;
	vm5 =	vne.f32 v19, v39;
	vm1 =	vne.f32 v14, v38  }
0x186: {  	vm6 =	vne.f32 v14, v42;
	vm7 =	veq.s32 v13, s12;
	vm8 =	veq.s32 v13, s14  }
0x187: {  	v29 =	vor.u32 v31, v23;
	v23 =	vor.u32 v30, v33;
	v31 =	vor.u32 v32, v43  }
0x188: {  	vm1 =	vmand vm1, vm6;
	vm3 =	vmand vm0, vm3;
	vm0 =	vmand vm4, vm5  }
0x189: {  	v30 =	vsel vm2, $0x10001, v3;
	v32 =	vsel vm7, $0x10001, v3;
	v28 =	vmul.f32 $1.500000000e+01, v17  }
0x18a: {  	v33 =	vsel vm8, $0x10001, v3;
	vm2 =	vlt.f32 v12, v22;
	vm4 =	vlt.f32 v11, v21  }
0x18b: {  	vm5 =	vlt.f32 v10, v24;
	v34 =	vsel vm2, $0xFFFFFE00, v0;
	v28 =	vtrunc.f32 v28  }
0x18c: {  	v36 =	vsel vm5, $0xFFFFFE00, v0;
	v37 =	vsel vm4, $0xFFFFFE00, v0;
	v28 =	vcvt.f32.s32 v28  }
.Ltmp8:
0x18d: {  	vm4 =	vgt.f32 v12, v27;
	vm5 =	vgt.f32 v11, v25;
	vm2 =	vgt.f32 v10, v26;
	(pc) =	sbr.rel @p0 .LBB2_10-.Ltmp8, $4  }
0x18e: {  	v34 =	vsel vm4, $0x200, v34;
	[tilespmem:v23+s26+$0x0] =	vst.idx.add.s32.msk vm3, v32;
	v32 =	vshll.u32 v35, $0x9;
	v35 =	vsel vm5, $0x200, v37  }
0x18f: {  	[tilespmem:v23+s28+$0x0] =	vst.idx.add.f32.msk vm3, v20;
	v20 =	vsel vm2, $0x200, v36;
	v23 =	vor.u32 s23, v40;
	v36 =	vor.u32 s24, v41;
	s23 =	smov.u32 s18;
	s24 =	smov.u32 s1  }
0x190: {  	v32 =	vor.u32 s22, v32;
	s22 =	smov.u32 s16;
	[tilespmem:v31+s26+$0x0] =	vst.idx.add.s32.msk vm0, v33;
	v33 =	vadd.s32 v34, v23;
	v34 =	vadd.s32 v35, v36  }
0x191: {  	v23 =	vadd.s32 v20, v32;
	[tilespmem:v31+s28+$0x0] =	vst.idx.add.f32.msk vm0, v19;
	v19 =	vand.u32 $0xFFFFFF80, v33;
	v20 =	vand.u32 $0xFFFFFF80, v34  }
0x192: {  	v42 =	vld [tilespmem:s11+$0x1000]  }
0x193: {  	v43 =	vld [tilespmem:s9+$0x1000];
	_ =	sdelay $0x3  }
0x194: {  	[tilespmem:v29+s26+$0x0] =	vst.idx.add.s32.msk vm1, v30;
	v31 =	vmul.f32 $1.500000000e+01, v42  }
0x195: {  	[tilespmem:v29+s28+$0x0] =	vst.idx.add.f32.msk vm1, v14;
	v32 =	vmul.f32 $1.500000000e+01, v43  }
0x196: {  	v30 =	vld [tilespmem:s10+$0x1000];
	v31 =	vtrunc.f32 v31  }
0x197: {  	vm0 =	vne.f32 v12, v22;
	v32 =	vtrunc.f32 v32;
	v31 =	vcvt.f32.s32 v31  }
0x198: {  	v34 =	vld.idx.msk [tilespmem:v28+s17+$0x0], $0xffff;
	vm12 =	vne.f32 v12, v27;
	vm4 =	vne.f32 v10, v24;
	v32 =	vcvt.f32.s32 v32  }
0x199: {  	v44 =	vld.idx.msk [tilespmem:v28+s19+$0x0], $0xffff;
	v23 =	vand.u32 $0xFFFFFF80, v23;
	vm2 =	vne.f32 v11, v21;
	vm5 =	vne.f32 v11, v25  }
0x19a: {  	vm6 =	vne.f32 v10, v26;
	v5 =	vor.u32 v5, v19;
	v7 =	vor.u32 v7, v20  }
0x19b: {  	v48 =	vshll.u32 v28, $0x9;
	vm9 =	veq.s32 v13, s21;
	v33 =	vmul.f32 $1.500000000e+01, v30  }
0x19c: {  	v4 =	vor.u32 v4, v23;
	vm3 =	vmand vm0, vm12;
	vm2 =	vmand vm2, vm5  }
0x19d: {  	vm0 =	vmand vm4, vm6;
	vm13 =	vlt.f32 v17, v34;
	v33 =	vtrunc.f32 v33;
	v45 =	vld.idx.msk [tilespmem:v31+s17+$0x0], $0xffff  }
0x19e: {  	s1 =	sshll.u32 s21, $0x4;
	vm14 =	vgt.f32 v17, v44;
	v47 =	vsel vm13, $0xFFFFFE00, v0;
	v33 =	vcvt.f32.s32 v33;
	v46 =	vld.idx.msk [tilespmem:v32+s17+$0x0], $0xffff  }
0x19f: {  	v50 =	vor.u32 s1, v2;
	v23 =	vor.u32 s1, v48;
	v21 =	vsel vm14, $0x200, v47;
	v51 =	vld.idx.msk [tilespmem:v31+s19+$0x0], $0xffff  }
0x1a0: {  	v54 =	vsel vm9, $0x10001, v3;
	v25 =	vand.u32 $0x7F, v50;
	v21 =	vadd.s32 v21, v23;
	v52 =	vld.idx.msk [tilespmem:v32+s19+$0x0], $0xffff  }
0x1a1: {  	vm15 =	vne.f32 v17, v34;
	vm8 =	vne.f32 v17, v44;
	v21 =	vand.u32 $0xFFFFFF80, v21  }
0x1a2: {  	vm1 =	vmand vm15, vm8;
	v21 =	vor.u32 v25, v21;
	v55 =	vshll.u32 v31, $0x9  }
0x1a3: {  	[tilespmem:v7+s26+$0x0] =	vst.idx.add.s32.msk vm2, v8;
	v58 =	vshll.u32 v32, $0x9;
	v60 =	vor.u32 s23, v55;
	v59 =	vshll.u32 v33, $0x9  }
0x1a4: {  	v8 =	vor.u32 s24, v58;
	v61 =	vor.u32 s22, v59;
	v49 =	vld.idx.msk [tilespmem:v33+s17+$0x0], $0xffff;
	vm10 =	vlt.f32 v42, v45  }
0x1a5: {  	v53 =	vld.idx.msk [tilespmem:v33+s19+$0x0], $0xffff;
	vm11 =	vlt.f32 v43, v46;
	vm13 =	vgt.f32 v42, v51;
	vm14 =	vgt.f32 v43, v52  }
0x1a6: {  	vm6 =	vne.f32 v42, v45;
	vm7 =	vne.f32 v42, v51;
	v56 =	vsel vm10, $0xFFFFFE00, v0  }
0x1a7: {  	[tilespmem:v5+s26+$0x0] =	vst.idx.add.s32.msk vm3, v9;
	vm8 =	vne.f32 v43, v46;
	vm9 =	vne.f32 v43, v52;
	v28 =	vsel vm13, $0x200, v56  }
0x1a8: {  	[tilespmem:v7+s28+$0x0] =	vst.idx.add.f32.msk vm2, v11;
	v57 =	vsel vm11, $0xFFFFFE00, v0;
	vm2 =	vmand vm6, vm7;
	v7 =	vadd.s32 v28, v60  }
0x1a9: {  	[tilespmem:v5+s28+$0x0] =	vst.idx.add.f32.msk vm3, v12;
	vm3 =	vmand vm8, vm9;
	vm12 =	vlt.f32 v30, v49;
	v7 =	vand.u32 $0xFFFFFF80, v7  }
0x1aa: {  	v9 =	vsel vm14, $0x200, v57;
	vm15 =	vgt.f32 v30, v53;
	v7 =	vor.u32 v18, v7  }
0x1ab: {  	[tilespmem:v4+s26+$0x0] =	vst.idx.add.s32.msk vm0, v6;
	vm10 =	vne.f32 v30, v49;
	v5 =	vsel vm12, $0xFFFFFE00, v0;
	v62 =	vadd.s32 v9, v8  }
0x1ac: {  	[tilespmem:v4+s28+$0x0] =	vst.idx.add.f32.msk vm0, v10;
	vm11 =	vne.f32 v30, v53;
	v5 =	vsel vm15, $0x200, v5;
	v6 =	vand.u32 $0xFFFFFF80, v62  }
0x1ad: {  	[tilespmem:v21+s26+$0x0] =	vst.idx.add.s32.msk vm1, v54;
	vm12 =	veq.s32 v13, s20;
	v5 =	vadd.s32 v5, v61;
	v6 =	vor.u32 v16, v6  }
0x1ae: {  	[tilespmem:v21+s28+$0x0] =	vst.idx.add.f32.msk vm1, v17;
	vm13 =	vmand vm10, vm11;
	v63 =	vsel vm12, $0x10001, v3;
	v5 =	vand.u32 $0xFFFFFF80, v5  }
0x1af: {  	v4 =	vor.u32 v15, v5;
	[tilespmem:v7+s26+$0x0] =	vst.idx.add.s32.msk vm2, v63  }
0x1b0: {  	s0 =	sadd.s32 $0x3, s0;
	vm14 =	veq.s32 v13, s6;
	[tilespmem:v7+s28+$0x0] =	vst.idx.add.f32.msk vm2, v42  }
0x1b1: {  	p0 =	sge.u32 s0, s8;
	v5 =	vsel vm14, $0x10001, v3;
	s1 =	rddreg [dreg:$0x6]  }
0x1b2: {  	vm15 =	veq.s32 v13, s4;
	[tilespmem:v6+s26+$0x0] =	vst.idx.add.s32.msk vm3, v5;
	s0 =	sadd.s32 @!p0 s1, s0  }
0x1b3: {  	s2 =	rddreg [dreg:$0x0];
	s3 =	simm.s32 @!p0 $0x7A1400;
	v5 =	vsel vm15, $0x10001, v3;
	[tilespmem:v6+s28+$0x0] =	vst.idx.add.f32.msk vm3, v43;
	s1 =	sshll.u32 @!p0 s0, $0x7  }
0x1b4: {  	s4 =	simm.s32 @!p0 $0x1000;
	[tilespmem:v4+s26+$0x0] =	vst.idx.add.s32.msk vm13, v5;
	s0 =	sshll.u32 @!p0 s0, $0x4;
	s1 =	sand.u32 @!p0 $0x1FFFFF80, s1  }
.Ltmp9:
0x1b5: {  	[tilespmem:v4+s28+$0x0] =	vst.idx.add.f32.msk vm13, v30;
	s1 =	sadd.s32 @!p0 s2, s1;
	s2 =	simm.s32 @!p0 $0x400;
	(pc) =	sbr.rel .LBB2_12-.Ltmp9, $4  }
0x1b6: {  	[tilespmem:s4], [sflag:$0x2] =	stream.strided.gather @!p0 [hbm4b:s1+s2], $0x1000, s3, s2, $0x38;
	[tilespmem:$0x5E00] =	vst v63  }
0x1b7: {  	s0 =	sand.u32 @!p0 $0x1FFFFFF0, s0;
	s1 =	rddreg [dreg:$0x1]  }
0x1b8: {  	s2 =	simm.s32 @!p0 $0x2080;
	s0 =	sadd.s32 @!p0 s1, s0;
	s1 =	simm.s32 @!p0 $0x0  }
0x1b9: {  	[tilespmem:s2], [sflag:$0x2] =	stream.linear.gather @!p0 [hbm4b:s0+s1], $0x80, $0x38;
	[tilespmem:$0x5E00] =	vst v63  }
.LBB2_14:
0x1ba: {  	_ =	sfence.sel $0x180000  }
0x1bb: {  	[bflag:$0x0] =	sbarrier.arrive $0xFFFF  }
0x1bc: {  	_ =	strace $0x90000047  }
0x1bd: {  	s0 =	stileid.u32;
	[bflag:$0x2] =	sbarrier.arrive $0xFFFF  }
0x1be: {  	p0 =	sne.s32 s0, $0x0;
	s0 =	rddreg [dreg:$0x4]  }
0x1bf: {  	s0 =	sadd.s32 @!p0 $0x100000, s0  }
0x1c0: {  	[sflag:s0] =	ssyncadd.tile.s32 @!p0 $0x1;
	_ =	shalt  }
.Lfunc_end2:
_tile_overlayer_lowered:
.L_overlay_start_2:
0x1c1: {  	(tag) =	ssettag $0x2  }
0x1c2: {  	s0 =	rddreg [dreg:$0x0];
	s2 =	stileid.u32  }
0x1c3: {  	s1 =	rddreg [dreg:$0x1];
	p0 =	sne.s32 s2, $0x0  }
0x1c4: {  	s3 =	rddreg [dreg:$0x2];
	[bflag:$0x3] =	sbarrier.arrive $0xFFFF;
	s2 =	simm.s32 @!p0 $0x1C03  }
0x1c5: {  	[timem:s3], [sflag:s2] =	dma.local @!p0 [hbm:s0], s1  }
0x1c6: {  	s0 =	simm.s32 @!p0 $0x3  }
0x1c7: {  	_ =	swait.ge @!p0 [sflag:s0], s1  }
0x1c8: {  	s1 =	ssub.s32 @!p0 $0x0, s1;
	[sflag:s0] =	ssyncset.done @!p0 $0x0  }
0x1c9: {  	[sflag:s0] =	ssyncadd.s32 @!p0 s1  }
0x1ca: {  	[bflag:$0x3] =	sbarrier.arrive $0xFFFF  }
0x1cb: {  	_ =	shalt  }

</sc_bundles>
